<compile_context>
chip_gen: v7x
topology: tpu7x:2x2x1
jax: 0.10.2.dev20260603
libtpu: 0.0.44.dev20260713+nightly
codegen_flags: <defaults>
</compile_context>

<pallas_src>
import jax
import jax.numpy as jnp
from jax import lax
from jax.experimental import pallas as pl
from jax.experimental.pallas import tpu as pltpu
from jax.experimental.pallas import tpu_sc as plsc

B = 16
H = 256
W = 256
OH = 512
OW = 512
N = OH * OW
NW = 32
PW = N // (NW // B)
CHUNK = 8192
ROWS = CHUNK // OW
NCH = PW // CHUNK
L = 16
KPR = OW // L


def _interp_body(y_hbm, xt_hbm, out_hbm, y_v, x0_v, x1_v, out_v,
                 y_sem, in_sem0, in_sem1, out_sem0, out_sem1):
    in_sems = (in_sem0, in_sem1)
    out_sems = (out_sem0, out_sem1)
    nc = 2
    wid = lax.axis_index("s") * nc + lax.axis_index("c")
    b = wid // 2
    half = wid % 2
    base_pt = half * PW
    base_row = half * (PW // OW)

    def start_in(ci, s):
        pt0 = base_pt + ci * CHUNK
        pltpu.async_copy(
            xt_hbm.at[0, b, pl.ds(pt0, CHUNK)], x0_v.at[s], in_sems[s])
        pltpu.async_copy(
            xt_hbm.at[1, b, pl.ds(pt0, CHUNK)], x1_v.at[s], in_sems[s])

    def wait_in(ci, s):
        pt0 = base_pt + ci * CHUNK
        pltpu.make_async_copy(
            xt_hbm.at[0, b, pl.ds(pt0, CHUNK)], x0_v.at[s], in_sems[s]).wait()
        pltpu.make_async_copy(
            xt_hbm.at[1, b, pl.ds(pt0, CHUNK)], x1_v.at[s], in_sems[s]).wait()

    def drain_out(s):
        pltpu.make_async_copy(
            out_v.at[s], out_hbm.at[b, pl.ds(base_row, ROWS)],
            out_sems[s]).wait()

    ycp = pltpu.async_copy(y_hbm.at[b], y_v, y_sem)
    start_in(0, 0)
    start_in(1, 1)
    ycp.wait()

    def outer(g, carry):
        for s in range(2):
            ci = 2 * g + s
            row0 = base_row + ci * ROWS
            wait_in(ci, s)

            @pl.when(ci >= 2)
            def _():
                drain_out(s)

            def row_loop(r, rcarry):
                @plsc.parallel_loop(0, KPR, step=1, unroll=32)
                def vec_body(k):
                    kk = r * KPR + k
                    c0 = x0_v[s, pl.ds(kk * L, L)]
                    c1 = x1_v[s, pl.ds(kk * L, L)]
                    r0 = c0 * jnp.float32(H - 1)
                    r1 = c1 * jnp.float32(W - 1)
                    i0 = r0.astype(jnp.int32)
                    i1 = r1.astype(jnp.int32)
                    f0 = r0 - i0.astype(jnp.float32)
                    f1 = r1 - i1.astype(jnp.float32)
                    j0 = jnp.minimum(i0 + 1, H - 1)
                    j1 = jnp.minimum(i1 + 1, W - 1)
                    a0 = i0 << 8
                    a1 = j0 << 8
                    v00 = plsc.load_gather(y_v, [a0 + i1])
                    v01 = plsc.load_gather(y_v, [a0 + j1])
                    v10 = plsc.load_gather(y_v, [a1 + i1])
                    v11 = plsc.load_gather(y_v, [a1 + j1])
                    lo = v00 + (v10 - v00) * f0
                    hi = v01 + (v11 - v01) * f0
                    res = lo + (hi - lo) * f1
                    out_v[s, r, pl.ds(k * L, L)] = res
                return rcarry

            lax.fori_loop(0, ROWS, row_loop, 0)

            pltpu.async_copy(
                out_v.at[s], out_hbm.at[b, pl.ds(row0, ROWS)], out_sems[s])

            @pl.when(ci + 2 < NCH)
            def _():
                start_in(ci + 2, s)
        return carry

    lax.fori_loop(0, NCH // 2, outer, 0)
    for s in range(2):
        drain_out(s)


@jax.jit
def kernel(y, xnew):
    y2 = y.reshape(B, H * W)
    xt = jnp.moveaxis(xnew, -1, 0)
    mesh = plsc.VectorSubcoreMesh(core_axis_name="c", subcore_axis_name="s")
    out = pl.kernel(
        _interp_body,
        out_type=jax.ShapeDtypeStruct((B, OH, OW), jnp.float32),
        mesh=mesh,
        compiler_params=pltpu.CompilerParams(needs_layout_passes=False),
        scratch_types=[
            pltpu.VMEM((H * W,), jnp.float32),
            pltpu.VMEM((2, CHUNK), jnp.float32),
            pltpu.VMEM((2, CHUNK), jnp.float32),
            pltpu.VMEM((2, ROWS, OW), jnp.float32),
            pltpu.SemaphoreType.DMA,
            pltpu.SemaphoreType.DMA,
            pltpu.SemaphoreType.DMA,
            pltpu.SemaphoreType.DMA,
            pltpu.SemaphoreType.DMA,
        ],
    )(y2, xt)
    return out

# --- scband reference (transcript-rebuilt; emitter-appended) ---
"""Pipeline reference for scband-linear-interpolator-19052474925056 (READ-ONLY COPY).

The authoritative reference and input builder live on the scoring server;
editing this copy changes nothing except your own understanding.
"""

import jax, jax.numpy as jnp
import numpy as np

INPUT_SHAPE = (256, 256)
OUTPUT_SHAPE = (512, 512)


def setup_inputs(seed: int = 0) -> dict:
    key = jax.random.key(seed)
    k1, k2 = jax.random.split(key)
    B = 16
    n_out = int(np.prod(OUTPUT_SHAPE))
    y = jax.random.normal(k1, (B,) + INPUT_SHAPE, dtype=jnp.float32)
    xnew = jax.random.uniform(k2, (B, n_out, len(INPUT_SHAPE)), dtype=jnp.float32)
    return {"y": y, "xnew": xnew}


def _n_linear_interp(y, sample_points):
    # y: [B, *input_shape], sample_points: [B, N, n_dims] in [0,1]
    B = y.shape[0]
    input_shape = y.shape[1:]
    n_dims = len(input_shape)
    stepsizes = jnp.array([1.0 / (d - 1) for d in input_shape], dtype=sample_points.dtype).reshape(1, 1, -1)
    raw_indices = sample_points / stepsizes
    left = jnp.floor(raw_indices)
    offsets = raw_indices - left
    left_i = left.astype(jnp.int32)
    right_i = left_i + 1
    shape_t = jnp.array(input_shape, dtype=jnp.int32).reshape(1, 1, -1)
    right_i = jnp.where(right_i >= shape_t, left_i, right_i)
    # discrete_indices: [B, N, n_dims, 2] (left/right choice per dim)
    disc = jnp.stack([left_i, right_i], axis=-1)
    batch_idx = jnp.arange(B).reshape(B, 1)
    # Enumerate 2**n_dims corners in torch.cartesian_prod order (first dim varies slowest)
    vals = []
    for c in range(2 ** n_dims):
        coords = tuple(disc[..., i, (c >> (n_dims - 1 - i)) & 1] for i in range(n_dims))
        vals.append(y[(batch_idx,) + coords])  # gather -> [B, N]
    interp = jnp.stack(vals, axis=-1)  # [B, N, 2**n_dims]
    for i in range(n_dims):
        half = interp.shape[-1] // 2
        a = interp[..., :half]
        b = interp[..., half:]
        slope = b - a
        interp = a + slope * offsets[..., i][..., None]
    return interp[..., 0]


def reference(y, xnew):
    B = y.shape[0]
    n_dims = len(INPUT_SHAPE)
    sp = xnew.reshape(B, -1, n_dims)
    ynew = _n_linear_interp(y, sp)
    return ynew.reshape((B,) + OUTPUT_SHAPE)

if __name__ == "__main__":
    import jax
    _d = setup_inputs()
    print(jax.jit(kernel)(*tuple(_d.values())))

</pallas_src>

<mosaic_0001>
#map = affine_map<(d0, d1) -> (0, 0)>
#map1 = affine_map<(d0, d1) -> (0, 0, 0)>
module attributes {stable_mosaic.version = 14 : i64} {
  func.func @_interp_body(%arg0: i32, %arg1: i32, %arg2: memref<16x65536xf32, #tpu.memory_space<hbm>>, %arg3: memref<2x16x262144xf32, #tpu.memory_space<hbm>>, %arg4: memref<16x512x512xf32, #tpu.memory_space<hbm>>, %arg5: memref<65536xf32, #tpu.memory_space<vmem>>, %arg6: memref<2x8192xf32, #tpu.memory_space<vmem>>, %arg7: memref<2x8192xf32, #tpu.memory_space<vmem>>, %arg8: memref<2x16x512xf32, #tpu.memory_space<vmem>>, %arg9: memref<!tpu.dma_semaphore, #tpu.memory_space<semaphore_mem>>, %arg10: memref<!tpu.dma_semaphore, #tpu.memory_space<semaphore_mem>>, %arg11: memref<!tpu.dma_semaphore, #tpu.memory_space<semaphore_mem>>, %arg12: memref<!tpu.dma_semaphore, #tpu.memory_space<semaphore_mem>>, %arg13: memref<!tpu.dma_semaphore, #tpu.memory_space<semaphore_mem>>) attributes {dimension_semantics = [#tpu.dimension_semantics<core_parallel>, #tpu.dimension_semantics<subcore_parallel>], iteration_bounds = array<i64: 2, 16>, scalar_prefetch = 0 : i64, scratch_operands = 9 : i64, tpu.core_type = #tpu.core_type<sc_vector_subcore>, window_params = [{transform_indices = #map}, {transform_indices = #map1}, {transform_indices = #map1}]} {
    %mul3A = arith.constant 2 : i32
    %mul3A_0 = arith.muli %arg1, %mul3A : i32
    %add3A = arith.addi %mul3A_0, %arg0 : i32
    %jit3A = arith.constant 2 : i32
    %div3A = arith.divsi %add3A, %jit3A : i32
    %sign3A = arith.constant 0 : i32
    %sign3A_1 = arith.cmpi sgt, %add3A, %sign3A : i32
    %sign3A_2 = arith.extui %sign3A_1 : i1 to i32
    %sign3A_3 = arith.constant 0 : i32
    %sign3A_4 = arith.cmpi slt, %add3A, %sign3A_3 : i32
    %sign3A_5 = arith.extui %sign3A_4 : i1 to i32
    %sign3A_6 = arith.subi %sign3A_2, %sign3A_5 : i32
    %sign3A_7 = arith.constant 0 : i32
    %sign3A_8 = arith.cmpi sgt, %jit3A, %sign3A_7 : i32
    %sign3A_9 = arith.extui %sign3A_8 : i1 to i32
    %sign3A_10 = arith.constant 0 : i32
    %sign3A_11 = arith.cmpi slt, %jit3A, %sign3A_10 : i32
    %sign3A_12 = arith.extui %sign3A_11 : i1 to i32
    %sign3A_13 = arith.subi %sign3A_9, %sign3A_12 : i32
    %ne3A = arith.cmpi ne, %sign3A_6, %sign3A_13 : i32
    %rem3A = arith.remsi %add3A, %jit3A : i32
    %ne3A_14 = arith.constant 0 : i32
    %ne3A_15 = arith.cmpi ne, %rem3A, %ne3A_14 : i32
    %and3A = arith.andi %ne3A, %ne3A_15 : i1
    %sub3A = arith.constant 1 : i32
    %sub3A_16 = arith.subi %div3A, %sub3A : i32
    %select_n3A = arith.select %and3A, %sub3A_16, %div3A : i32
    %jit3A_17 = arith.constant 2 : i32
    %eq3A = arith.constant 0 : i32
    %eq3A_18 = arith.cmpi eq, %jit3A_17, %eq3A : i32
    %jit3A_19 = arith.constant 1 : i32
    %select_n3A_20 = arith.select %eq3A_18, %jit3A_19, %jit3A_17 : i32
    %rem3A_21 = arith.remsi %add3A, %select_n3A_20 : i32
    %ne3A_22 = arith.constant 0 : i32
    %ne3A_23 = arith.cmpi ne, %rem3A_21, %ne3A_22 : i32
    %lt3A = arith.constant 0 : i32
    %lt3A_24 = arith.cmpi slt, %rem3A_21, %lt3A : i32
    %lt3A_25 = arith.constant 0 : i32
    %lt3A_26 = arith.cmpi slt, %select_n3A_20, %lt3A_25 : i32
    %ne3A_27 = arith.xori %lt3A_24, %lt3A_26 : i1
    %and3A_28 = arith.andi %ne3A_27, %ne3A_23 : i1
    %add3A_29 = arith.addi %rem3A_21, %select_n3A_20 : i32
    %select_n3A_30 = arith.select %and3A_28, %add3A_29, %rem3A_21 : i32
    %mul3A_31 = arith.constant 131072 : i32
    %mul3A_32 = arith.muli %select_n3A_30, %mul3A_31 : i32
    %mul3A_33 = arith.constant 256 : i32
    %mul3A_34 = arith.muli %select_n3A_30, %mul3A_33 : i32
    %dma_start3A = arith.constant 0 : i32
    %dma_start3A_35 = tpu.memref_slice %arg2[%select_n3A, %dma_start3A] : memref<16x65536xf32, #tpu.memory_space<hbm>> -> memref<1x65536xf32, #tpu.memory_space<hbm>>
    %dma_start3A_36 = tpu.memref_squeeze %dma_start3A_35 : memref<1x65536xf32, #tpu.memory_space<hbm>> -> memref<65536xf32, #tpu.memory_space<hbm>>
    %dma_start3A_37 = arith.constant 0 : i32
    %dma_start3A_38 = tpu.memref_slice %arg2[%select_n3A, %dma_start3A_37] : memref<16x65536xf32, #tpu.memory_space<hbm>> -> memref<1x65536xf32, #tpu.memory_space<hbm>>
    %dma_start3A_39 = tpu.memref_squeeze %dma_start3A_38 : memref<1x65536xf32, #tpu.memory_space<hbm>> -> memref<65536xf32, #tpu.memory_space<hbm>>
    tpu.enqueue_dma source(%dma_start3A_39 : memref<65536xf32, #tpu.memory_space<hbm>>) target(%arg5 : memref<65536xf32, #tpu.memory_space<vmem>>) target_semaphore(%arg9 : memref<!tpu.dma_semaphore, #tpu.memory_space<semaphore_mem>>)
    %add3A_40 = arith.constant 0 : i32
    %add3A_41 = arith.addi %mul3A_32, %add3A_40 : i32
    %dma_start3A_42 = arith.constant 0 : i32
    %dma_start3A_43 = arith.constant 0 : i32
    %dma_start3A_44 = arith.constant 0 : i32
    %dma_start3A_45 = tpu.memref_slice %arg6[%dma_start3A_43, %dma_start3A_44] : memref<2x8192xf32, #tpu.memory_space<vmem>> -> memref<1x8192xf32, #tpu.memory_space<vmem>>
    %dma_start3A_46 = tpu.memref_squeeze %dma_start3A_45 : memref<1x8192xf32, #tpu.memory_space<vmem>> -> memref<8192xf32, #tpu.memory_space<vmem>>
    %dma_start3A_47 = tpu.memref_slice %arg3[%dma_start3A_42, %select_n3A, %add3A_41] : memref<2x16x262144xf32, #tpu.memory_space<hbm>> -> memref<1x1x8192xf32, #tpu.memory_space<hbm>>
    %dma_start3A_48 = tpu.memref_squeeze %dma_start3A_47 : memref<1x1x8192xf32, #tpu.memory_space<hbm>> -> memref<8192xf32, #tpu.memory_space<hbm>>
    %dma_start3A_49 = arith.constant 0 : i32
    %dma_start3A_50 = tpu.memref_slice %arg6[%dma_start3A_43, %dma_start3A_49] : memref<2x8192xf32, #tpu.memory_space<vmem>> -> memref<1x8192xf32, #tpu.memory_space<vmem>>
    %dma_start3A_51 = tpu.memref_squeeze %dma_start3A_50 : memref<1x8192xf32, #tpu.memory_space<vmem>> -> memref<8192xf32, #tpu.memory_space<vmem>>
    %dma_start3A_52 = tpu.memref_slice %arg3[%dma_start3A_42, %select_n3A, %add3A_41] : memref<2x16x262144xf32, #tpu.memory_space<hbm>> -> memref<1x1x8192xf32, #tpu.memory_space<hbm>>
    %dma_start3A_53 = tpu.memref_squeeze %dma_start3A_52 : memref<1x1x8192xf32, #tpu.memory_space<hbm>> -> memref<8192xf32, #tpu.memory_space<hbm>>
    tpu.enqueue_dma source(%dma_start3A_53 : memref<8192xf32, #tpu.memory_space<hbm>>) target(%dma_start3A_51 : memref<8192xf32, #tpu.memory_space<vmem>>) target_semaphore(%arg10 : memref<!tpu.dma_semaphore, #tpu.memory_space<semaphore_mem>>)
    %dma_start3A_54 = arith.constant 1 : i32
    %dma_start3A_55 = arith.constant 0 : i32
    %dma_start3A_56 = arith.constant 0 : i32
    %dma_start3A_57 = tpu.memref_slice %arg7[%dma_start3A_55, %dma_start3A_56] : memref<2x8192xf32, #tpu.memory_space<vmem>> -> memref<1x8192xf32, #tpu.memory_space<vmem>>
    %dma_start3A_58 = tpu.memref_squeeze %dma_start3A_57 : memref<1x8192xf32, #tpu.memory_space<vmem>> -> memref<8192xf32, #tpu.memory_space<vmem>>
    %dma_start3A_59 = tpu.memref_slice %arg3[%dma_start3A_54, %select_n3A, %add3A_41] : memref<2x16x262144xf32, #tpu.memory_space<hbm>> -> memref<1x1x8192xf32, #tpu.memory_space<hbm>>
    %dma_start3A_60 = tpu.memref_squeeze %dma_start3A_59 : memref<1x1x8192xf32, #tpu.memory_space<hbm>> -> memref<8192xf32, #tpu.memory_space<hbm>>
    %dma_start3A_61 = arith.constant 0 : i32
    %dma_start3A_62 = tpu.memref_slice %arg7[%dma_start3A_55, %dma_start3A_61] : memref<2x8192xf32, #tpu.memory_space<vmem>> -> memref<1x8192xf32, #tpu.memory_space<vmem>>
    %dma_start3A_63 = tpu.memref_squeeze %dma_start3A_62 : memref<1x8192xf32, #tpu.memory_space<vmem>> -> memref<8192xf32, #tpu.memory_space<vmem>>
    %dma_start3A_64 = tpu.memref_slice %arg3[%dma_start3A_54, %select_n3A, %add3A_41] : memref<2x16x262144xf32, #tpu.memory_space<hbm>> -> memref<1x1x8192xf32, #tpu.memory_space<hbm>>
    %dma_start3A_65 = tpu.memref_squeeze %dma_start3A_64 : memref<1x1x8192xf32, #tpu.memory_space<hbm>> -> memref<8192xf32, #tpu.memory_space<hbm>>
    tpu.enqueue_dma source(%dma_start3A_65 : memref<8192xf32, #tpu.memory_space<hbm>>) target(%dma_start3A_63 : memref<8192xf32, #tpu.memory_space<vmem>>) target_semaphore(%arg10 : memref<!tpu.dma_semaphore, #tpu.memory_space<semaphore_mem>>)
    %add3A_66 = arith.constant 8192 : i32
    %add3A_67 = arith.addi %mul3A_32, %add3A_66 : i32
    %dma_start3A_68 = arith.constant 0 : i32
    %dma_start3A_69 = arith.constant 1 : i32
    %dma_start3A_70 = arith.constant 0 : i32
    %dma_start3A_71 = tpu.memref_slice %arg6[%dma_start3A_69, %dma_start3A_70] : memref<2x8192xf32, #tpu.memory_space<vmem>> -> memref<1x8192xf32, #tpu.memory_space<vmem>>
    %dma_start3A_72 = tpu.memref_squeeze %dma_start3A_71 : memref<1x8192xf32, #tpu.memory_space<vmem>> -> memref<8192xf32, #tpu.memory_space<vmem>>
    %dma_start3A_73 = tpu.memref_slice %arg3[%dma_start3A_68, %select_n3A, %add3A_67] : memref<2x16x262144xf32, #tpu.memory_space<hbm>> -> memref<1x1x8192xf32, #tpu.memory_space<hbm>>
    %dma_start3A_74 = tpu.memref_squeeze %dma_start3A_73 : memref<1x1x8192xf32, #tpu.memory_space<hbm>> -> memref<8192xf32, #tpu.memory_space<hbm>>
    %dma_start3A_75 = arith.constant 0 : i32
    %dma_start3A_76 = tpu.memref_slice %arg6[%dma_start3A_69, %dma_start3A_75] : memref<2x8192xf32, #tpu.memory_space<vmem>> -> memref<1x8192xf32, #tpu.memory_space<vmem>>
    %dma_start3A_77 = tpu.memref_squeeze %dma_start3A_76 : memref<1x8192xf32, #tpu.memory_space<vmem>> -> memref<8192xf32, #tpu.memory_space<vmem>>
    %dma_start3A_78 = tpu.memref_slice %arg3[%dma_start3A_68, %select_n3A, %add3A_67] : memref<2x16x262144xf32, #tpu.memory_space<hbm>> -> memref<1x1x8192xf32, #tpu.memory_space<hbm>>
    %dma_start3A_79 = tpu.memref_squeeze %dma_start3A_78 : memref<1x1x8192xf32, #tpu.memory_space<hbm>> -> memref<8192xf32, #tpu.memory_space<hbm>>
    tpu.enqueue_dma source(%dma_start3A_79 : memref<8192xf32, #tpu.memory_space<hbm>>) target(%dma_start3A_77 : memref<8192xf32, #tpu.memory_space<vmem>>) target_semaphore(%arg11 : memref<!tpu.dma_semaphore, #tpu.memory_space<semaphore_mem>>)
    %dma_start3A_80 = arith.constant 1 : i32
    %dma_start3A_81 = arith.constant 1 : i32
    %dma_start3A_82 = arith.constant 0 : i32
    %dma_start3A_83 = tpu.memref_slice %arg7[%dma_start3A_81, %dma_start3A_82] : memref<2x8192xf32, #tpu.memory_space<vmem>> -> memref<1x8192xf32, #tpu.memory_space<vmem>>
    %dma_start3A_84 = tpu.memref_squeeze %dma_start3A_83 : memref<1x8192xf32, #tpu.memory_space<vmem>> -> memref<8192xf32, #tpu.memory_space<vmem>>
    %dma_start3A_85 = tpu.memref_slice %arg3[%dma_start3A_80, %select_n3A, %add3A_67] : memref<2x16x262144xf32, #tpu.memory_space<hbm>> -> memref<1x1x8192xf32, #tpu.memory_space<hbm>>
    %dma_start3A_86 = tpu.memref_squeeze %dma_start3A_85 : memref<1x1x8192xf32, #tpu.memory_space<hbm>> -> memref<8192xf32, #tpu.memory_space<hbm>>
    %dma_start3A_87 = arith.constant 0 : i32
    %dma_start3A_88 = tpu.memref_slice %arg7[%dma_start3A_81, %dma_start3A_87] : memref<2x8192xf32, #tpu.memory_space<vmem>> -> memref<1x8192xf32, #tpu.memory_space<vmem>>
    %dma_start3A_89 = tpu.memref_squeeze %dma_start3A_88 : memref<1x8192xf32, #tpu.memory_space<vmem>> -> memref<8192xf32, #tpu.memory_space<vmem>>
    %dma_start3A_90 = tpu.memref_slice %arg3[%dma_start3A_80, %select_n3A, %add3A_67] : memref<2x16x262144xf32, #tpu.memory_space<hbm>> -> memref<1x1x8192xf32, #tpu.memory_space<hbm>>
    %dma_start3A_91 = tpu.memref_squeeze %dma_start3A_90 : memref<1x1x8192xf32, #tpu.memory_space<hbm>> -> memref<8192xf32, #tpu.memory_space<hbm>>
    tpu.enqueue_dma source(%dma_start3A_91 : memref<8192xf32, #tpu.memory_space<hbm>>) target(%dma_start3A_89 : memref<8192xf32, #tpu.memory_space<vmem>>) target_semaphore(%arg11 : memref<!tpu.dma_semaphore, #tpu.memory_space<semaphore_mem>>)
    %dma_wait3A = arith.constant 0 : i32
    %dma_wait3A_92 = tpu.memref_slice %arg2[%select_n3A, %dma_wait3A] : memref<16x65536xf32, #tpu.memory_space<hbm>> -> memref<1x65536xf32, #tpu.memory_space<hbm>>
    %dma_wait3A_93 = tpu.memref_squeeze %dma_wait3A_92 : memref<1x65536xf32, #tpu.memory_space<hbm>> -> memref<65536xf32, #tpu.memory_space<hbm>>
    %dma_wait3A_94 = arith.constant 0 : i32
    %dma_wait3A_95 = tpu.memref_slice %arg2[%select_n3A, %dma_wait3A_94] : memref<16x65536xf32, #tpu.memory_space<hbm>> -> memref<1x65536xf32, #tpu.memory_space<hbm>>
    %dma_wait3A_96 = tpu.memref_squeeze %dma_wait3A_95 : memref<1x65536xf32, #tpu.memory_space<hbm>> -> memref<65536xf32, #tpu.memory_space<hbm>>
    tpu.wait_dma2 semaphore(%arg9 : memref<!tpu.dma_semaphore, #tpu.memory_space<semaphore_mem>>) src(%dma_wait3A_96 : memref<65536xf32, #tpu.memory_space<hbm>>) dst(%arg5 : memref<65536xf32, #tpu.memory_space<vmem>>)
    %scan3A = arith.constant 0 : i32
    %scan3A_97 = arith.constant 0 : i32
    %scan3A_98 = arith.constant 8 : i32
    %scan3A_99 = arith.addi %scan3A_97, %scan3A_98 : i32
    %scan3A_100 = arith.constant 1 : i32
    scf.for %scan3A_132 = %scan3A_97 to %scan3A_99 step %scan3A_100  : i32 {
      %mul3A_133 = arith.constant 2 : i32
      %mul3A_134 = arith.muli %mul3A_133, %scan3A_132 : i32
      %add3A_135 = arith.constant 0 : i32
      %add3A_136 = arith.addi %mul3A_134, %add3A_135 : i32
      %mul3A_137 = arith.constant 16 : i32
      %mul3A_138 = arith.muli %add3A_136, %mul3A_137 : i32
      %add3A_139 = arith.addi %mul3A_34, %mul3A_138 : i32
      %mul3A_140 = arith.constant 8192 : i32
      %mul3A_141 = arith.muli %add3A_136, %mul3A_140 : i32
      %add3A_142 = arith.addi %mul3A_32, %mul3A_141 : i32
      %dma_wait3A_143 = arith.constant 0 : i32
      %dma_wait3A_144 = arith.constant 0 : i32
      %dma_wait3A_145 = arith.constant 0 : i32
      %dma_wait3A_146 = tpu.memref_slice %arg6[%dma_wait3A_144, %dma_wait3A_145] : memref<2x8192xf32, #tpu.memory_space<vmem>> -> memref<1x8192xf32, #tpu.memory_space<vmem>>
      %dma_wait3A_147 = tpu.memref_squeeze %dma_wait3A_146 : memref<1x8192xf32, #tpu.memory_space<vmem>> -> memref<8192xf32, #tpu.memory_space<vmem>>
      %dma_wait3A_148 = tpu.memref_slice %arg3[%dma_wait3A_143, %select_n3A, %add3A_142] : memref<2x16x262144xf32, #tpu.memory_space<hbm>> -> memref<1x1x8192xf32, #tpu.memory_space<hbm>>
      %dma_wait3A_149 = tpu.memref_squeeze %dma_wait3A_148 : memref<1x1x8192xf32, #tpu.memory_space<hbm>> -> memref<8192xf32, #tpu.memory_space<hbm>>
      %dma_wait3A_150 = arith.constant 0 : i32
      %dma_wait3A_151 = tpu.memref_slice %arg6[%dma_wait3A_144, %dma_wait3A_150] : memref<2x8192xf32, #tpu.memory_space<vmem>> -> memref<1x8192xf32, #tpu.memory_space<vmem>>
      %dma_wait3A_152 = tpu.memref_squeeze %dma_wait3A_151 : memref<1x8192xf32, #tpu.memory_space<vmem>> -> memref<8192xf32, #tpu.memory_space<vmem>>
      %dma_wait3A_153 = tpu.memref_slice %arg3[%dma_wait3A_143, %select_n3A, %add3A_142] : memref<2x16x262144xf32, #tpu.memory_space<hbm>> -> memref<1x1x8192xf32, #tpu.memory_space<hbm>>
      %dma_wait3A_154 = tpu.memref_squeeze %dma_wait3A_153 : memref<1x1x8192xf32, #tpu.memory_space<hbm>> -> memref<8192xf32, #tpu.memory_space<hbm>>
      tpu.wait_dma2 semaphore(%arg10 : memref<!tpu.dma_semaphore, #tpu.memory_space<semaphore_mem>>) src(%dma_wait3A_154 : memref<8192xf32, #tpu.memory_space<hbm>>) dst(%dma_wait3A_152 : memref<8192xf32, #tpu.memory_space<vmem>>)
      %dma_wait3A_155 = arith.constant 1 : i32
      %dma_wait3A_156 = arith.constant 0 : i32
      %dma_wait3A_157 = arith.constant 0 : i32
      %dma_wait3A_158 = tpu.memref_slice %arg7[%dma_wait3A_156, %dma_wait3A_157] : memref<2x8192xf32, #tpu.memory_space<vmem>> -> memref<1x8192xf32, #tpu.memory_space<vmem>>
      %dma_wait3A_159 = tpu.memref_squeeze %dma_wait3A_158 : memref<1x8192xf32, #tpu.memory_space<vmem>> -> memref<8192xf32, #tpu.memory_space<vmem>>
      %dma_wait3A_160 = tpu.memref_slice %arg3[%dma_wait3A_155, %select_n3A, %add3A_142] : memref<2x16x262144xf32, #tpu.memory_space<hbm>> -> memref<1x1x8192xf32, #tpu.memory_space<hbm>>
      %dma_wait3A_161 = tpu.memref_squeeze %dma_wait3A_160 : memref<1x1x8192xf32, #tpu.memory_space<hbm>> -> memref<8192xf32, #tpu.memory_space<hbm>>
      %dma_wait3A_162 = arith.constant 0 : i32
      %dma_wait3A_163 = tpu.memref_slice %arg7[%dma_wait3A_156, %dma_wait3A_162] : memref<2x8192xf32, #tpu.memory_space<vmem>> -> memref<1x8192xf32, #tpu.memory_space<vmem>>
      %dma_wait3A_164 = tpu.memref_squeeze %dma_wait3A_163 : memref<1x8192xf32, #tpu.memory_space<vmem>> -> memref<8192xf32, #tpu.memory_space<vmem>>
      %dma_wait3A_165 = tpu.memref_slice %arg3[%dma_wait3A_155, %select_n3A, %add3A_142] : memref<2x16x262144xf32, #tpu.memory_space<hbm>> -> memref<1x1x8192xf32, #tpu.memory_space<hbm>>
      %dma_wait3A_166 = tpu.memref_squeeze %dma_wait3A_165 : memref<1x1x8192xf32, #tpu.memory_space<hbm>> -> memref<8192xf32, #tpu.memory_space<hbm>>
      tpu.wait_dma2 semaphore(%arg10 : memref<!tpu.dma_semaphore, #tpu.memory_space<semaphore_mem>>) src(%dma_wait3A_166 : memref<8192xf32, #tpu.memory_space<hbm>>) dst(%dma_wait3A_164 : memref<8192xf32, #tpu.memory_space<vmem>>)
      %ge3A = arith.constant 2 : i32
      %ge3A_167 = arith.cmpi sge, %add3A_136, %ge3A : i32
      %convert_element_type3A = arith.extui %ge3A_167 : i1 to i32
      %cond3A = arith.constant 0 : i32
      %cond3A_168 = arith.cmpi ne, %convert_element_type3A, %cond3A : i32
      scf.if %cond3A_168 {
        %dma_wait3A_264 = arith.constant 0 : i32
        %dma_wait3A_265 = arith.constant 0 : i32
        %dma_wait3A_266 = arith.constant 0 : i32
        %dma_wait3A_267 = tpu.memref_slice %arg8[%dma_wait3A_264, %dma_wait3A_265, %dma_wait3A_266] : memref<2x16x512xf32, #tpu.memory_space<vmem>> -> memref<1x16x512xf32, #tpu.memory_space<vmem>>
        %dma_wait3A_268 = tpu.memref_squeeze %dma_wait3A_267 : memref<1x16x512xf32, #tpu.memory_space<vmem>> -> memref<16x512xf32, #tpu.memory_space<vmem>>
        %dma_wait3A_269 = arith.constant 0 : i32
        %dma_wait3A_270 = tpu.memref_slice %arg4[%select_n3A, %mul3A_34, %dma_wait3A_269] : memref<16x512x512xf32, #tpu.memory_space<hbm>> -> memref<1x16x512xf32, #tpu.memory_space<hbm>>
        %dma_wait3A_271 = tpu.memref_squeeze %dma_wait3A_270 : memref<1x16x512xf32, #tpu.memory_space<hbm>> -> memref<16x512xf32, #tpu.memory_space<hbm>>
        %dma_wait3A_272 = arith.constant 0 : i32
        %dma_wait3A_273 = tpu.memref_slice %arg4[%select_n3A, %mul3A_34, %dma_wait3A_272] : memref<16x512x512xf32, #tpu.memory_space<hbm>> -> memref<1x16x512xf32, #tpu.memory_space<hbm>>
        %dma_wait3A_274 = tpu.memref_squeeze %dma_wait3A_273 : memref<1x16x512xf32, #tpu.memory_space<hbm>> -> memref<16x512xf32, #tpu.memory_space<hbm>>
        %dma_wait3A_275 = arith.constant 0 : i32
        %dma_wait3A_276 = arith.constant 0 : i32
        %dma_wait3A_277 = tpu.memref_slice %arg8[%dma_wait3A_264, %dma_wait3A_275, %dma_wait3A_276] : memref<2x16x512xf32, #tpu.memory_space<vmem>> -> memref<1x16x512xf32, #tpu.memory_space<vmem>>
        %dma_wait3A_278 = tpu.memref_squeeze %dma_wait3A_277 : memref<1x16x512xf32, #tpu.memory_space<vmem>> -> memref<16x512xf32, #tpu.memory_space<vmem>>
        tpu.wait_dma2 semaphore(%arg12 : memref<!tpu.dma_semaphore, #tpu.memory_space<semaphore_mem>>) src(%dma_wait3A_278 : memref<16x512xf32, #tpu.memory_space<vmem>>) dst(%dma_wait3A_274 : memref<16x512xf32, #tpu.memory_space<hbm>>)
      } else {
      }
      %scan3A_169 = arith.constant 0 : i32
      %scan3A_170 = arith.constant 0 : i32
      %scan3A_171 = arith.constant 16 : i32
      %scan3A_172 = arith.addi %scan3A_170, %scan3A_171 : i32
      %scan3A_173 = arith.constant 1 : i32
      scf.for %scan3A_264 = %scan3A_170 to %scan3A_172 step %scan3A_173  : i32 {
        %parallel_loop3A = arith.constant 0 : i32
        %parallel_loop3A_265 = arith.constant 32 : i32
        %parallel_loop3A_266 = arith.constant 1 : i32
        scf.for %parallel_loop3A_267 = %parallel_loop3A to %parallel_loop3A_265 step %parallel_loop3A_266  : i32 {
          %parallel_loop3A_268 = arith.constant 32 : i32
          %parallel_loop3A_269 = arith.muli %scan3A_264, %parallel_loop3A_268 : i32
          %parallel_loop3A_270 = arith.addi %parallel_loop3A_269, %parallel_loop3A_267 : i32
          %parallel_loop3A_271 = arith.constant 16 : i32
          %parallel_loop3A_272 = arith.muli %parallel_loop3A_270, %parallel_loop3A_271 : i32
          %parallel_loop3A_273 = arith.constant 0 : i32
          %parallel_loop3A_274 = arith.index_cast %parallel_loop3A_273 : i32 to index
          %parallel_loop3A_275 = arith.index_cast %parallel_loop3A_272 : i32 to index
          %parallel_loop3A_276 = tpu.vector_load %arg6[%parallel_loop3A_274, %parallel_loop3A_275] {strides = array<i32>} : memref<2x8192xf32, #tpu.memory_space<vmem>>, vector<16xf32>,
          %parallel_loop3A_277 = arith.constant 16 : i32
          %parallel_loop3A_278 = arith.muli %parallel_loop3A_270, %parallel_loop3A_277 : i32
          %parallel_loop3A_279 = arith.constant 0 : i32
          %parallel_loop3A_280 = arith.index_cast %parallel_loop3A_279 : i32 to index
          %parallel_loop3A_281 = arith.index_cast %parallel_loop3A_278 : i32 to index
          %parallel_loop3A_282 = tpu.vector_load %arg7[%parallel_loop3A_280, %parallel_loop3A_281] {strides = array<i32>} : memref<2x8192xf32, #tpu.memory_space<vmem>>, vector<16xf32>,
          %parallel_loop3A_283 = arith.constant 2.550000e+02 : f32
          %parallel_loop3A_284 = vector.broadcast %parallel_loop3A_283 : f32 to vector<16xf32>
          %parallel_loop3A_285 = arith.mulf %parallel_loop3A_276, %parallel_loop3A_284 : vector<16xf32>
          %parallel_loop3A_286 = arith.constant 2.550000e+02 : f32
          %parallel_loop3A_287 = vector.broadcast %parallel_loop3A_286 : f32 to vector<16xf32>
          %parallel_loop3A_288 = arith.mulf %parallel_loop3A_282, %parallel_loop3A_287 : vector<16xf32>
          %parallel_loop3A_289 = arith.fptosi %parallel_loop3A_285 : vector<16xf32> to vector<16xi32>
          %parallel_loop3A_290 = arith.fptosi %parallel_loop3A_288 : vector<16xf32> to vector<16xi32>
          %parallel_loop3A_291 = arith.sitofp %parallel_loop3A_289 : vector<16xi32> to vector<16xf32>
          %parallel_loop3A_292 = arith.subf %parallel_loop3A_285, %parallel_loop3A_291 : vector<16xf32>
          %parallel_loop3A_293 = arith.sitofp %parallel_loop3A_290 : vector<16xi32> to vector<16xf32>
          %parallel_loop3A_294 = arith.subf %parallel_loop3A_288, %parallel_loop3A_293 : vector<16xf32>
          %parallel_loop3A_295 = arith.constant 1 : i32
          %parallel_loop3A_296 = vector.broadcast %parallel_loop3A_295 : i32 to vector<16xi32>
          %parallel_loop3A_297 = arith.addi %parallel_loop3A_289, %parallel_loop3A_296 : vector<16xi32>
          %parallel_loop3A_298 = arith.constant 255 : i32
          %parallel_loop3A_299 = vector.broadcast %parallel_loop3A_298 : i32 to vector<16xi32>
          %parallel_loop3A_300 = arith.minsi %parallel_loop3A_297, %parallel_loop3A_299 : vector<16xi32>
          %parallel_loop3A_301 = arith.constant 1 : i32
          %parallel_loop3A_302 = vector.broadcast %parallel_loop3A_301 : i32 to vector<16xi32>
          %parallel_loop3A_303 = arith.addi %parallel_loop3A_290, %parallel_loop3A_302 : vector<16xi32>
          %parallel_loop3A_304 = arith.constant 255 : i32
          %parallel_loop3A_305 = vector.broadcast %parallel_loop3A_304 : i32 to vector<16xi32>
          %parallel_loop3A_306 = arith.minsi %parallel_loop3A_303, %parallel_loop3A_305 : vector<16xi32>
          %parallel_loop3A_307 = arith.constant 8 : i32
          %parallel_loop3A_308 = vector.broadcast %parallel_loop3A_307 : i32 to vector<16xi32>
          %parallel_loop3A_309 = arith.shli %parallel_loop3A_289, %parallel_loop3A_308 : vector<16xi32>
          %parallel_loop3A_310 = arith.constant 8 : i32
          %parallel_loop3A_311 = vector.broadcast %parallel_loop3A_310 : i32 to vector<16xi32>
          %parallel_loop3A_312 = arith.shli %parallel_loop3A_300, %parallel_loop3A_311 : vector<16xi32>
          %parallel_loop3A_313 = arith.addi %parallel_loop3A_309, %parallel_loop3A_290 : vector<16xi32>
          %parallel_loop3A_314 = tpu.vector_load_idx %arg5[%parallel_loop3A_313] : memref<65536xf32, #tpu.memory_space<vmem>>[vector<16xi32>], vector<16xf32>,
          %parallel_loop3A_315 = arith.addi %parallel_loop3A_309, %parallel_loop3A_306 : vector<16xi32>
          %parallel_loop3A_316 = tpu.vector_load_idx %arg5[%parallel_loop3A_315] : memref<65536xf32, #tpu.memory_space<vmem>>[vector<16xi32>], vector<16xf32>,
          %parallel_loop3A_317 = arith.addi %parallel_loop3A_312, %parallel_loop3A_290 : vector<16xi32>
          %parallel_loop3A_318 = tpu.vector_load_idx %arg5[%parallel_loop3A_317] : memref<65536xf32, #tpu.memory_space<vmem>>[vector<16xi32>], vector<16xf32>,
          %parallel_loop3A_319 = arith.addi %parallel_loop3A_312, %parallel_loop3A_306 : vector<16xi32>
          %parallel_loop3A_320 = tpu.vector_load_idx %arg5[%parallel_loop3A_319] : memref<65536xf32, #tpu.memory_space<vmem>>[vector<16xi32>], vector<16xf32>,
          %parallel_loop3A_321 = arith.subf %parallel_loop3A_318, %parallel_loop3A_314 : vector<16xf32>
          %parallel_loop3A_322 = arith.mulf %parallel_loop3A_321, %parallel_loop3A_292 : vector<16xf32>
          %parallel_loop3A_323 = arith.addf %parallel_loop3A_314, %parallel_loop3A_322 : vector<16xf32>
          %parallel_loop3A_324 = arith.subf %parallel_loop3A_320, %parallel_loop3A_316 : vector<16xf32>
          %parallel_loop3A_325 = arith.mulf %parallel_loop3A_324, %parallel_loop3A_292 : vector<16xf32>
          %parallel_loop3A_326 = arith.addf %parallel_loop3A_316, %parallel_loop3A_325 : vector<16xf32>
          %parallel_loop3A_327 = arith.subf %parallel_loop3A_326, %parallel_loop3A_323 : vector<16xf32>
          %parallel_loop3A_328 = arith.mulf %parallel_loop3A_327, %parallel_loop3A_294 : vector<16xf32>
          %parallel_loop3A_329 = arith.addf %parallel_loop3A_323, %parallel_loop3A_328 : vector<16xf32>
          %parallel_loop3A_330 = arith.constant 16 : i32
          %parallel_loop3A_331 = arith.muli %parallel_loop3A_267, %parallel_loop3A_330 : i32
          %parallel_loop3A_332 = arith.constant 0 : i32
          %parallel_loop3A_333 = arith.index_cast %parallel_loop3A_332 : i32 to index
          %parallel_loop3A_334 = arith.index_cast %scan3A_264 : i32 to index
          %parallel_loop3A_335 = arith.index_cast %parallel_loop3A_331 : i32 to index
          %parallel_loop3A_336 = tpu.vector_load %arg8[%parallel_loop3A_333, %parallel_loop3A_334, %parallel_loop3A_335] {strides = array<i32>} : memref<2x16x512xf32, #tpu.memory_space<vmem>>, vector<16xf32>,
          tpu.vector_store %arg8[%parallel_loop3A_333, %parallel_loop3A_334, %parallel_loop3A_335], %parallel_loop3A_329 {strides = array<i32>} : memref<2x16x512xf32, #tpu.memory_space<vmem>>, vector<16xf32>,
        } {sc.loop_unroll_factor = 32 : i64, sc.parallel_access}
      }
      %scan3A_174 = arith.constant 16 : i32
      %dma_start3A_175 = arith.constant 0 : i32
      %dma_start3A_176 = arith.constant 0 : i32
      %dma_start3A_177 = arith.constant 0 : i32
      %dma_start3A_178 = tpu.memref_slice %arg8[%dma_start3A_175, %dma_start3A_176, %dma_start3A_177] : memref<2x16x512xf32, #tpu.memory_space<vmem>> -> memref<1x16x512xf32, #tpu.memory_space<vmem>>
      %dma_start3A_179 = tpu.memref_squeeze %dma_start3A_178 : memref<1x16x512xf32, #tpu.memory_space<vmem>> -> memref<16x512xf32, #tpu.memory_space<vmem>>
      %dma_start3A_180 = arith.constant 0 : i32
      %dma_start3A_181 = tpu.memref_slice %arg4[%select_n3A, %add3A_139, %dma_start3A_180] : memref<16x512x512xf32, #tpu.memory_space<hbm>> -> memref<1x16x512xf32, #tpu.memory_space<hbm>>
      %dma_start3A_182 = tpu.memref_squeeze %dma_start3A_181 : memref<1x16x512xf32, #tpu.memory_space<hbm>> -> memref<16x512xf32, #tpu.memory_space<hbm>>
      %dma_start3A_183 = arith.constant 0 : i32
      %dma_start3A_184 = tpu.memref_slice %arg4[%select_n3A, %add3A_139, %dma_start3A_183] : memref<16x512x512xf32, #tpu.memory_space<hbm>> -> memref<1x16x512xf32, #tpu.memory_space<hbm>>
      %dma_start3A_185 = tpu.memref_squeeze %dma_start3A_184 : memref<1x16x512xf32, #tpu.memory_space<hbm>> -> memref<16x512xf32, #tpu.memory_space<hbm>>
      %dma_start3A_186 = arith.constant 0 : i32
      %dma_start3A_187 = arith.constant 0 : i32
      %dma_start3A_188 = tpu.memref_slice %arg8[%dma_start3A_175, %dma_start3A_186, %dma_start3A_187] : memref<2x16x512xf32, #tpu.memory_space<vmem>> -> memref<1x16x512xf32, #tpu.memory_space<vmem>>
      %dma_start3A_189 = tpu.memref_squeeze %dma_start3A_188 : memref<1x16x512xf32, #tpu.memory_space<vmem>> -> memref<16x512xf32, #tpu.memory_space<vmem>>
      tpu.enqueue_dma source(%dma_start3A_189 : memref<16x512xf32, #tpu.memory_space<vmem>>) target(%dma_start3A_185 : memref<16x512xf32, #tpu.memory_space<hbm>>) target_semaphore(%arg12 : memref<!tpu.dma_semaphore, #tpu.memory_space<semaphore_mem>>)
      %add3A_190 = arith.constant 2 : i32
      %add3A_191 = arith.addi %add3A_136, %add3A_190 : i32
      %lt3A_192 = arith.constant 16 : i32
      %lt3A_193 = arith.cmpi slt, %add3A_191, %lt3A_192 : i32
      %convert_element_type3A_194 = arith.extui %lt3A_193 : i1 to i32
      %cond3A_195 = arith.constant 0 : i32
      %cond3A_196 = arith.cmpi ne, %convert_element_type3A_194, %cond3A_195 : i32
      scf.if %cond3A_196 {
        %add3A_264 = arith.constant 2 : i32
        %add3A_265 = arith.addi %add3A_136, %add3A_264 : i32
        %mul3A_266 = arith.constant 8192 : i32
        %mul3A_267 = arith.muli %add3A_265, %mul3A_266 : i32
        %add3A_268 = arith.addi %mul3A_32, %mul3A_267 : i32
        %dma_start3A_269 = arith.constant 0 : i32
        %dma_start3A_270 = arith.constant 0 : i32
        %dma_start3A_271 = arith.constant 0 : i32
        %dma_start3A_272 = tpu.memref_slice %arg6[%dma_start3A_270, %dma_start3A_271] : memref<2x8192xf32, #tpu.memory_space<vmem>> -> memref<1x8192xf32, #tpu.memory_space<vmem>>
        %dma_start3A_273 = tpu.memref_squeeze %dma_start3A_272 : memref<1x8192xf32, #tpu.memory_space<vmem>> -> memref<8192xf32, #tpu.memory_space<vmem>>
        %dma_start3A_274 = tpu.memref_slice %arg3[%dma_start3A_269, %select_n3A, %add3A_268] : memref<2x16x262144xf32, #tpu.memory_space<hbm>> -> memref<1x1x8192xf32, #tpu.memory_space<hbm>>
        %dma_start3A_275 = tpu.memref_squeeze %dma_start3A_274 : memref<1x1x8192xf32, #tpu.memory_space<hbm>> -> memref<8192xf32, #tpu.memory_space<hbm>>
        %dma_start3A_276 = arith.constant 0 : i32
        %dma_start3A_277 = tpu.memref_slice %arg6[%dma_start3A_270, %dma_start3A_276] : memref<2x8192xf32, #tpu.memory_space<vmem>> -> memref<1x8192xf32, #tpu.memory_space<vmem>>
        %dma_start3A_278 = tpu.memref_squeeze %dma_start3A_277 : memref<1x8192xf32, #tpu.memory_space<vmem>> -> memref<8192xf32, #tpu.memory_space<vmem>>
        %dma_start3A_279 = tpu.memref_slice %arg3[%dma_start3A_269, %select_n3A, %add3A_268] : memref<2x16x262144xf32, #tpu.memory_space<hbm>> -> memref<1x1x8192xf32, #tpu.memory_space<hbm>>
        %dma_start3A_280 = tpu.memref_squeeze %dma_start3A_279 : memref<1x1x8192xf32, #tpu.memory_space<hbm>> -> memref<8192xf32, #tpu.memory_space<hbm>>
        tpu.enqueue_dma source(%dma_start3A_280 : memref<8192xf32, #tpu.memory_space<hbm>>) target(%dma_start3A_278 : memref<8192xf32, #tpu.memory_space<vmem>>) target_semaphore(%arg10 : memref<!tpu.dma_semaphore, #tpu.memory_space<semaphore_mem>>)
        %dma_start3A_281 = arith.constant 1 : i32
        %dma_start3A_282 = arith.constant 0 : i32
        %dma_start3A_283 = arith.constant 0 : i32
        %dma_start3A_284 = tpu.memref_slice %arg7[%dma_start3A_282, %dma_start3A_283] : memref<2x8192xf32, #tpu.memory_space<vmem>> -> memref<1x8192xf32, #tpu.memory_space<vmem>>
        %dma_start3A_285 = tpu.memref_squeeze %dma_start3A_284 : memref<1x8192xf32, #tpu.memory_space<vmem>> -> memref<8192xf32, #tpu.memory_space<vmem>>
        %dma_start3A_286 = tpu.memref_slice %arg3[%dma_start3A_281, %select_n3A, %add3A_268] : memref<2x16x262144xf32, #tpu.memory_space<hbm>> -> memref<1x1x8192xf32, #tpu.memory_space<hbm>>
        %dma_start3A_287 = tpu.memref_squeeze %dma_start3A_286 : memref<1x1x8192xf32, #tpu.memory_space<hbm>> -> memref<8192xf32, #tpu.memory_space<hbm>>
        %dma_start3A_288 = arith.constant 0 : i32
        %dma_start3A_289 = tpu.memref_slice %arg7[%dma_start3A_282, %dma_start3A_288] : memref<2x8192xf32, #tpu.memory_space<vmem>> -> memref<1x8192xf32, #tpu.memory_space<vmem>>
        %dma_start3A_290 = tpu.memref_squeeze %dma_start3A_289 : memref<1x8192xf32, #tpu.memory_space<vmem>> -> memref<8192xf32, #tpu.memory_space<vmem>>
        %dma_start3A_291 = tpu.memref_slice %arg3[%dma_start3A_281, %select_n3A, %add3A_268] : memref<2x16x262144xf32, #tpu.memory_space<hbm>> -> memref<1x1x8192xf32, #tpu.memory_space<hbm>>
        %dma_start3A_292 = tpu.memref_squeeze %dma_start3A_291 : memref<1x1x8192xf32, #tpu.memory_space<hbm>> -> memref<8192xf32, #tpu.memory_space<hbm>>
        tpu.enqueue_dma source(%dma_start3A_292 : memref<8192xf32, #tpu.memory_space<hbm>>) target(%dma_start3A_290 : memref<8192xf32, #tpu.memory_space<vmem>>) target_semaphore(%arg10 : memref<!tpu.dma_semaphore, #tpu.memory_space<semaphore_mem>>)
      } else {
      }
      %mul3A_197 = arith.constant 2 : i32
      %mul3A_198 = arith.muli %mul3A_197, %scan3A_132 : i32
      %add3A_199 = arith.constant 1 : i32
      %add3A_200 = arith.addi %mul3A_198, %add3A_199 : i32
      %mul3A_201 = arith.constant 16 : i32
      %mul3A_202 = arith.muli %add3A_200, %mul3A_201 : i32
      %add3A_203 = arith.addi %mul3A_34, %mul3A_202 : i32
      %mul3A_204 = arith.constant 8192 : i32
      %mul3A_205 = arith.muli %add3A_200, %mul3A_204 : i32
      %add3A_206 = arith.addi %mul3A_32, %mul3A_205 : i32
      %dma_wait3A_207 = arith.constant 0 : i32
      %dma_wait3A_208 = arith.constant 1 : i32
      %dma_wait3A_209 = arith.constant 0 : i32
      %dma_wait3A_210 = tpu.memref_slice %arg6[%dma_wait3A_208, %dma_wait3A_209] : memref<2x8192xf32, #tpu.memory_space<vmem>> -> memref<1x8192xf32, #tpu.memory_space<vmem>>
      %dma_wait3A_211 = tpu.memref_squeeze %dma_wait3A_210 : memref<1x8192xf32, #tpu.memory_space<vmem>> -> memref<8192xf32, #tpu.memory_space<vmem>>
      %dma_wait3A_212 = tpu.memref_slice %arg3[%dma_wait3A_207, %select_n3A, %add3A_206] : memref<2x16x262144xf32, #tpu.memory_space<hbm>> -> memref<1x1x8192xf32, #tpu.memory_space<hbm>>
      %dma_wait3A_213 = tpu.memref_squeeze %dma_wait3A_212 : memref<1x1x8192xf32, #tpu.memory_space<hbm>> -> memref<8192xf32, #tpu.memory_space<hbm>>
      %dma_wait3A_214 = arith.constant 0 : i32
      %dma_wait3A_215 = tpu.memref_slice %arg6[%dma_wait3A_208, %dma_wait3A_214] : memref<2x8192xf32, #tpu.memory_space<vmem>> -> memref<1x8192xf32, #tpu.memory_space<vmem>>
      %dma_wait3A_216 = tpu.memref_squeeze %dma_wait3A_215 : memref<1x8192xf32, #tpu.memory_space<vmem>> -> memref<8192xf32, #tpu.memory_space<vmem>>
      %dma_wait3A_217 = tpu.memref_slice %arg3[%dma_wait3A_207, %select_n3A, %add3A_206] : memref<2x16x262144xf32, #tpu.memory_space<hbm>> -> memref<1x1x8192xf32, #tpu.memory_space<hbm>>
      %dma_wait3A_218 = tpu.memref_squeeze %dma_wait3A_217 : memref<1x1x8192xf32, #tpu.memory_space<hbm>> -> memref<8192xf32, #tpu.memory_space<hbm>>
      tpu.wait_dma2 semaphore(%arg11 : memref<!tpu.dma_semaphore, #tpu.memory_space<semaphore_mem>>) src(%dma_wait3A_218 : memref<8192xf32, #tpu.memory_space<hbm>>) dst(%dma_wait3A_216 : memref<8192xf32, #tpu.memory_space<vmem>>)
      %dma_wait3A_219 = arith.constant 1 : i32
      %dma_wait3A_220 = arith.constant 1 : i32
      %dma_wait3A_221 = arith.constant 0 : i32
      %dma_wait3A_222 = tpu.memref_slice %arg7[%dma_wait3A_220, %dma_wait3A_221] : memref<2x8192xf32, #tpu.memory_space<vmem>> -> memref<1x8192xf32, #tpu.memory_space<vmem>>
      %dma_wait3A_223 = tpu.memref_squeeze %dma_wait3A_222 : memref<1x8192xf32, #tpu.memory_space<vmem>> -> memref<8192xf32, #tpu.memory_space<vmem>>
      %dma_wait3A_224 = tpu.memref_slice %arg3[%dma_wait3A_219, %select_n3A, %add3A_206] : memref<2x16x262144xf32, #tpu.memory_space<hbm>> -> memref<1x1x8192xf32, #tpu.memory_space<hbm>>
      %dma_wait3A_225 = tpu.memref_squeeze %dma_wait3A_224 : memref<1x1x8192xf32, #tpu.memory_space<hbm>> -> memref<8192xf32, #tpu.memory_space<hbm>>
      %dma_wait3A_226 = arith.constant 0 : i32
      %dma_wait3A_227 = tpu.memref_slice %arg7[%dma_wait3A_220, %dma_wait3A_226] : memref<2x8192xf32, #tpu.memory_space<vmem>> -> memref<1x8192xf32, #tpu.memory_space<vmem>>
      %dma_wait3A_228 = tpu.memref_squeeze %dma_wait3A_227 : memref<1x8192xf32, #tpu.memory_space<vmem>> -> memref<8192xf32, #tpu.memory_space<vmem>>
      %dma_wait3A_229 = tpu.memref_slice %arg3[%dma_wait3A_219, %select_n3A, %add3A_206] : memref<2x16x262144xf32, #tpu.memory_space<hbm>> -> memref<1x1x8192xf32, #tpu.memory_space<hbm>>
      %dma_wait3A_230 = tpu.memref_squeeze %dma_wait3A_229 : memref<1x1x8192xf32, #tpu.memory_space<hbm>> -> memref<8192xf32, #tpu.memory_space<hbm>>
      tpu.wait_dma2 semaphore(%arg11 : memref<!tpu.dma_semaphore, #tpu.memory_space<semaphore_mem>>) src(%dma_wait3A_230 : memref<8192xf32, #tpu.memory_space<hbm>>) dst(%dma_wait3A_228 : memref<8192xf32, #tpu.memory_space<vmem>>)
      %ge3A_231 = arith.constant 2 : i32
      %ge3A_232 = arith.cmpi sge, %add3A_200, %ge3A_231 : i32
      %convert_element_type3A_233 = arith.extui %ge3A_232 : i1 to i32
      %cond3A_234 = arith.constant 0 : i32
      %cond3A_235 = arith.cmpi ne, %convert_element_type3A_233, %cond3A_234 : i32
      scf.if %cond3A_235 {
        %dma_wait3A_264 = arith.constant 1 : i32
        %dma_wait3A_265 = arith.constant 0 : i32
        %dma_wait3A_266 = arith.constant 0 : i32
        %dma_wait3A_267 = tpu.memref_slice %arg8[%dma_wait3A_264, %dma_wait3A_265, %dma_wait3A_266] : memref<2x16x512xf32, #tpu.memory_space<vmem>> -> memref<1x16x512xf32, #tpu.memory_space<vmem>>
        %dma_wait3A_268 = tpu.memref_squeeze %dma_wait3A_267 : memref<1x16x512xf32, #tpu.memory_space<vmem>> -> memref<16x512xf32, #tpu.memory_space<vmem>>
        %dma_wait3A_269 = arith.constant 0 : i32
        %dma_wait3A_270 = tpu.memref_slice %arg4[%select_n3A, %mul3A_34, %dma_wait3A_269] : memref<16x512x512xf32, #tpu.memory_space<hbm>> -> memref<1x16x512xf32, #tpu.memory_space<hbm>>
        %dma_wait3A_271 = tpu.memref_squeeze %dma_wait3A_270 : memref<1x16x512xf32, #tpu.memory_space<hbm>> -> memref<16x512xf32, #tpu.memory_space<hbm>>
        %dma_wait3A_272 = arith.constant 0 : i32
        %dma_wait3A_273 = tpu.memref_slice %arg4[%select_n3A, %mul3A_34, %dma_wait3A_272] : memref<16x512x512xf32, #tpu.memory_space<hbm>> -> memref<1x16x512xf32, #tpu.memory_space<hbm>>
        %dma_wait3A_274 = tpu.memref_squeeze %dma_wait3A_273 : memref<1x16x512xf32, #tpu.memory_space<hbm>> -> memref<16x512xf32, #tpu.memory_space<hbm>>
        %dma_wait3A_275 = arith.constant 0 : i32
        %dma_wait3A_276 = arith.constant 0 : i32
        %dma_wait3A_277 = tpu.memref_slice %arg8[%dma_wait3A_264, %dma_wait3A_275, %dma_wait3A_276] : memref<2x16x512xf32, #tpu.memory_space<vmem>> -> memref<1x16x512xf32, #tpu.memory_space<vmem>>
        %dma_wait3A_278 = tpu.memref_squeeze %dma_wait3A_277 : memref<1x16x512xf32, #tpu.memory_space<vmem>> -> memref<16x512xf32, #tpu.memory_space<vmem>>
        tpu.wait_dma2 semaphore(%arg13 : memref<!tpu.dma_semaphore, #tpu.memory_space<semaphore_mem>>) src(%dma_wait3A_278 : memref<16x512xf32, #tpu.memory_space<vmem>>) dst(%dma_wait3A_274 : memref<16x512xf32, #tpu.memory_space<hbm>>)
      } else {
      }
      %scan3A_236 = arith.constant 0 : i32
      %scan3A_237 = arith.constant 0 : i32
      %scan3A_238 = arith.constant 16 : i32
      %scan3A_239 = arith.addi %scan3A_237, %scan3A_238 : i32
      %scan3A_240 = arith.constant 1 : i32
      scf.for %scan3A_264 = %scan3A_237 to %scan3A_239 step %scan3A_240  : i32 {
        %parallel_loop3A = arith.constant 0 : i32
        %parallel_loop3A_265 = arith.constant 32 : i32
        %parallel_loop3A_266 = arith.constant 1 : i32
        scf.for %parallel_loop3A_267 = %parallel_loop3A to %parallel_loop3A_265 step %parallel_loop3A_266  : i32 {
          %parallel_loop3A_268 = arith.constant 32 : i32
          %parallel_loop3A_269 = arith.muli %scan3A_264, %parallel_loop3A_268 : i32
          %parallel_loop3A_270 = arith.addi %parallel_loop3A_269, %parallel_loop3A_267 : i32
          %parallel_loop3A_271 = arith.constant 16 : i32
          %parallel_loop3A_272 = arith.muli %parallel_loop3A_270, %parallel_loop3A_271 : i32
          %parallel_loop3A_273 = arith.constant 1 : i32
          %parallel_loop3A_274 = arith.index_cast %parallel_loop3A_273 : i32 to index
          %parallel_loop3A_275 = arith.index_cast %parallel_loop3A_272 : i32 to index
          %parallel_loop3A_276 = tpu.vector_load %arg6[%parallel_loop3A_274, %parallel_loop3A_275] {strides = array<i32>} : memref<2x8192xf32, #tpu.memory_space<vmem>>, vector<16xf32>,
          %parallel_loop3A_277 = arith.constant 16 : i32
          %parallel_loop3A_278 = arith.muli %parallel_loop3A_270, %parallel_loop3A_277 : i32
          %parallel_loop3A_279 = arith.constant 1 : i32
          %parallel_loop3A_280 = arith.index_cast %parallel_loop3A_279 : i32 to index
          %parallel_loop3A_281 = arith.index_cast %parallel_loop3A_278 : i32 to index
          %parallel_loop3A_282 = tpu.vector_load %arg7[%parallel_loop3A_280, %parallel_loop3A_281] {strides = array<i32>} : memref<2x8192xf32, #tpu.memory_space<vmem>>, vector<16xf32>,
          %parallel_loop3A_283 = arith.constant 2.550000e+02 : f32
          %parallel_loop3A_284 = vector.broadcast %parallel_loop3A_283 : f32 to vector<16xf32>
          %parallel_loop3A_285 = arith.mulf %parallel_loop3A_276, %parallel_loop3A_284 : vector<16xf32>
          %parallel_loop3A_286 = arith.constant 2.550000e+02 : f32
          %parallel_loop3A_287 = vector.broadcast %parallel_loop3A_286 : f32 to vector<16xf32>
          %parallel_loop3A_288 = arith.mulf %parallel_loop3A_282, %parallel_loop3A_287 : vector<16xf32>
          %parallel_loop3A_289 = arith.fptosi %parallel_loop3A_285 : vector<16xf32> to vector<16xi32>
          %parallel_loop3A_290 = arith.fptosi %parallel_loop3A_288 : vector<16xf32> to vector<16xi32>
          %parallel_loop3A_291 = arith.sitofp %parallel_loop3A_289 : vector<16xi32> to vector<16xf32>
          %parallel_loop3A_292 = arith.subf %parallel_loop3A_285, %parallel_loop3A_291 : vector<16xf32>
          %parallel_loop3A_293 = arith.sitofp %parallel_loop3A_290 : vector<16xi32> to vector<16xf32>
          %parallel_loop3A_294 = arith.subf %parallel_loop3A_288, %parallel_loop3A_293 : vector<16xf32>
          %parallel_loop3A_295 = arith.constant 1 : i32
          %parallel_loop3A_296 = vector.broadcast %parallel_loop3A_295 : i32 to vector<16xi32>
          %parallel_loop3A_297 = arith.addi %parallel_loop3A_289, %parallel_loop3A_296 : vector<16xi32>
          %parallel_loop3A_298 = arith.constant 255 : i32
          %parallel_loop3A_299 = vector.broadcast %parallel_loop3A_298 : i32 to vector<16xi32>
          %parallel_loop3A_300 = arith.minsi %parallel_loop3A_297, %parallel_loop3A_299 : vector<16xi32>
          %parallel_loop3A_301 = arith.constant 1 : i32
          %parallel_loop3A_302 = vector.broadcast %parallel_loop3A_301 : i32 to vector<16xi32>
          %parallel_loop3A_303 = arith.addi %parallel_loop3A_290, %parallel_loop3A_302 : vector<16xi32>
          %parallel_loop3A_304 = arith.constant 255 : i32
          %parallel_loop3A_305 = vector.broadcast %parallel_loop3A_304 : i32 to vector<16xi32>
          %parallel_loop3A_306 = arith.minsi %parallel_loop3A_303, %parallel_loop3A_305 : vector<16xi32>
          %parallel_loop3A_307 = arith.constant 8 : i32
          %parallel_loop3A_308 = vector.broadcast %parallel_loop3A_307 : i32 to vector<16xi32>
          %parallel_loop3A_309 = arith.shli %parallel_loop3A_289, %parallel_loop3A_308 : vector<16xi32>
          %parallel_loop3A_310 = arith.constant 8 : i32
          %parallel_loop3A_311 = vector.broadcast %parallel_loop3A_310 : i32 to vector<16xi32>
          %parallel_loop3A_312 = arith.shli %parallel_loop3A_300, %parallel_loop3A_311 : vector<16xi32>
          %parallel_loop3A_313 = arith.addi %parallel_loop3A_309, %parallel_loop3A_290 : vector<16xi32>
          %parallel_loop3A_314 = tpu.vector_load_idx %arg5[%parallel_loop3A_313] : memref<65536xf32, #tpu.memory_space<vmem>>[vector<16xi32>], vector<16xf32>,
          %parallel_loop3A_315 = arith.addi %parallel_loop3A_309, %parallel_loop3A_306 : vector<16xi32>
          %parallel_loop3A_316 = tpu.vector_load_idx %arg5[%parallel_loop3A_315] : memref<65536xf32, #tpu.memory_space<vmem>>[vector<16xi32>], vector<16xf32>,
          %parallel_loop3A_317 = arith.addi %parallel_loop3A_312, %parallel_loop3A_290 : vector<16xi32>
          %parallel_loop3A_318 = tpu.vector_load_idx %arg5[%parallel_loop3A_317] : memref<65536xf32, #tpu.memory_space<vmem>>[vector<16xi32>], vector<16xf32>,
          %parallel_loop3A_319 = arith.addi %parallel_loop3A_312, %parallel_loop3A_306 : vector<16xi32>
          %parallel_loop3A_320 = tpu.vector_load_idx %arg5[%parallel_loop3A_319] : memref<65536xf32, #tpu.memory_space<vmem>>[vector<16xi32>], vector<16xf32>,
          %parallel_loop3A_321 = arith.subf %parallel_loop3A_318, %parallel_loop3A_314 : vector<16xf32>
          %parallel_loop3A_322 = arith.mulf %parallel_loop3A_321, %parallel_loop3A_292 : vector<16xf32>
          %parallel_loop3A_323 = arith.addf %parallel_loop3A_314, %parallel_loop3A_322 : vector<16xf32>
          %parallel_loop3A_324 = arith.subf %parallel_loop3A_320, %parallel_loop3A_316 : vector<16xf32>
          %parallel_loop3A_325 = arith.mulf %parallel_loop3A_324, %parallel_loop3A_292 : vector<16xf32>
          %parallel_loop3A_326 = arith.addf %parallel_loop3A_316, %parallel_loop3A_325 : vector<16xf32>
          %parallel_loop3A_327 = arith.subf %parallel_loop3A_326, %parallel_loop3A_323 : vector<16xf32>
          %parallel_loop3A_328 = arith.mulf %parallel_loop3A_327, %parallel_loop3A_294 : vector<16xf32>
          %parallel_loop3A_329 = arith.addf %parallel_loop3A_323, %parallel_loop3A_328 : vector<16xf32>
          %parallel_loop3A_330 = arith.constant 16 : i32
          %parallel_loop3A_331 = arith.muli %parallel_loop3A_267, %parallel_loop3A_330 : i32
          %parallel_loop3A_332 = arith.constant 1 : i32
          %parallel_loop3A_333 = arith.index_cast %parallel_loop3A_332 : i32 to index
          %parallel_loop3A_334 = arith.index_cast %scan3A_264 : i32 to index
          %parallel_loop3A_335 = arith.index_cast %parallel_loop3A_331 : i32 to index
          %parallel_loop3A_336 = tpu.vector_load %arg8[%parallel_loop3A_333, %parallel_loop3A_334, %parallel_loop3A_335] {strides = array<i32>} : memref<2x16x512xf32, #tpu.memory_space<vmem>>, vector<16xf32>,
          tpu.vector_store %arg8[%parallel_loop3A_333, %parallel_loop3A_334, %parallel_loop3A_335], %parallel_loop3A_329 {strides = array<i32>} : memref<2x16x512xf32, #tpu.memory_space<vmem>>, vector<16xf32>,
        } {sc.loop_unroll_factor = 32 : i64, sc.parallel_access}
      }
      %scan3A_241 = arith.constant 16 : i32
      %dma_start3A_242 = arith.constant 1 : i32
      %dma_start3A_243 = arith.constant 0 : i32
      %dma_start3A_244 = arith.constant 0 : i32
      %dma_start3A_245 = tpu.memref_slice %arg8[%dma_start3A_242, %dma_start3A_243, %dma_start3A_244] : memref<2x16x512xf32, #tpu.memory_space<vmem>> -> memref<1x16x512xf32, #tpu.memory_space<vmem>>
      %dma_start3A_246 = tpu.memref_squeeze %dma_start3A_245 : memref<1x16x512xf32, #tpu.memory_space<vmem>> -> memref<16x512xf32, #tpu.memory_space<vmem>>
      %dma_start3A_247 = arith.constant 0 : i32
      %dma_start3A_248 = tpu.memref_slice %arg4[%select_n3A, %add3A_203, %dma_start3A_247] : memref<16x512x512xf32, #tpu.memory_space<hbm>> -> memref<1x16x512xf32, #tpu.memory_space<hbm>>
      %dma_start3A_249 = tpu.memref_squeeze %dma_start3A_248 : memref<1x16x512xf32, #tpu.memory_space<hbm>> -> memref<16x512xf32, #tpu.memory_space<hbm>>
      %dma_start3A_250 = arith.constant 0 : i32
      %dma_start3A_251 = tpu.memref_slice %arg4[%select_n3A, %add3A_203, %dma_start3A_250] : memref<16x512x512xf32, #tpu.memory_space<hbm>> -> memref<1x16x512xf32, #tpu.memory_space<hbm>>
      %dma_start3A_252 = tpu.memref_squeeze %dma_start3A_251 : memref<1x16x512xf32, #tpu.memory_space<hbm>> -> memref<16x512xf32, #tpu.memory_space<hbm>>
      %dma_start3A_253 = arith.constant 0 : i32
      %dma_start3A_254 = arith.constant 0 : i32
      %dma_start3A_255 = tpu.memref_slice %arg8[%dma_start3A_242, %dma_start3A_253, %dma_start3A_254] : memref<2x16x512xf32, #tpu.memory_space<vmem>> -> memref<1x16x512xf32, #tpu.memory_space<vmem>>
      %dma_start3A_256 = tpu.memref_squeeze %dma_start3A_255 : memref<1x16x512xf32, #tpu.memory_space<vmem>> -> memref<16x512xf32, #tpu.memory_space<vmem>>
      tpu.enqueue_dma source(%dma_start3A_256 : memref<16x512xf32, #tpu.memory_space<vmem>>) target(%dma_start3A_252 : memref<16x512xf32, #tpu.memory_space<hbm>>) target_semaphore(%arg13 : memref<!tpu.dma_semaphore, #tpu.memory_space<semaphore_mem>>)
      %add3A_257 = arith.constant 2 : i32
      %add3A_258 = arith.addi %add3A_200, %add3A_257 : i32
      %lt3A_259 = arith.constant 16 : i32
      %lt3A_260 = arith.cmpi slt, %add3A_258, %lt3A_259 : i32
      %convert_element_type3A_261 = arith.extui %lt3A_260 : i1 to i32
      %cond3A_262 = arith.constant 0 : i32
      %cond3A_263 = arith.cmpi ne, %convert_element_type3A_261, %cond3A_262 : i32
      scf.if %cond3A_263 {
        %add3A_264 = arith.constant 2 : i32
        %add3A_265 = arith.addi %add3A_200, %add3A_264 : i32
        %mul3A_266 = arith.constant 8192 : i32
        %mul3A_267 = arith.muli %add3A_265, %mul3A_266 : i32
        %add3A_268 = arith.addi %mul3A_32, %mul3A_267 : i32
        %dma_start3A_269 = arith.constant 0 : i32
        %dma_start3A_270 = arith.constant 1 : i32
        %dma_start3A_271 = arith.constant 0 : i32
        %dma_start3A_272 = tpu.memref_slice %arg6[%dma_start3A_270, %dma_start3A_271] : memref<2x8192xf32, #tpu.memory_space<vmem>> -> memref<1x8192xf32, #tpu.memory_space<vmem>>
        %dma_start3A_273 = tpu.memref_squeeze %dma_start3A_272 : memref<1x8192xf32, #tpu.memory_space<vmem>> -> memref<8192xf32, #tpu.memory_space<vmem>>
        %dma_start3A_274 = tpu.memref_slice %arg3[%dma_start3A_269, %select_n3A, %add3A_268] : memref<2x16x262144xf32, #tpu.memory_space<hbm>> -> memref<1x1x8192xf32, #tpu.memory_space<hbm>>
        %dma_start3A_275 = tpu.memref_squeeze %dma_start3A_274 : memref<1x1x8192xf32, #tpu.memory_space<hbm>> -> memref<8192xf32, #tpu.memory_space<hbm>>
        %dma_start3A_276 = arith.constant 0 : i32
        %dma_start3A_277 = tpu.memref_slice %arg6[%dma_start3A_270, %dma_start3A_276] : memref<2x8192xf32, #tpu.memory_space<vmem>> -> memref<1x8192xf32, #tpu.memory_space<vmem>>
        %dma_start3A_278 = tpu.memref_squeeze %dma_start3A_277 : memref<1x8192xf32, #tpu.memory_space<vmem>> -> memref<8192xf32, #tpu.memory_space<vmem>>
        %dma_start3A_279 = tpu.memref_slice %arg3[%dma_start3A_269, %select_n3A, %add3A_268] : memref<2x16x262144xf32, #tpu.memory_space<hbm>> -> memref<1x1x8192xf32, #tpu.memory_space<hbm>>
        %dma_start3A_280 = tpu.memref_squeeze %dma_start3A_279 : memref<1x1x8192xf32, #tpu.memory_space<hbm>> -> memref<8192xf32, #tpu.memory_space<hbm>>
        tpu.enqueue_dma source(%dma_start3A_280 : memref<8192xf32, #tpu.memory_space<hbm>>) target(%dma_start3A_278 : memref<8192xf32, #tpu.memory_space<vmem>>) target_semaphore(%arg11 : memref<!tpu.dma_semaphore, #tpu.memory_space<semaphore_mem>>)
        %dma_start3A_281 = arith.constant 1 : i32
        %dma_start3A_282 = arith.constant 1 : i32
        %dma_start3A_283 = arith.constant 0 : i32
        %dma_start3A_284 = tpu.memref_slice %arg7[%dma_start3A_282, %dma_start3A_283] : memref<2x8192xf32, #tpu.memory_space<vmem>> -> memref<1x8192xf32, #tpu.memory_space<vmem>>
        %dma_start3A_285 = tpu.memref_squeeze %dma_start3A_284 : memref<1x8192xf32, #tpu.memory_space<vmem>> -> memref<8192xf32, #tpu.memory_space<vmem>>
        %dma_start3A_286 = tpu.memref_slice %arg3[%dma_start3A_281, %select_n3A, %add3A_268] : memref<2x16x262144xf32, #tpu.memory_space<hbm>> -> memref<1x1x8192xf32, #tpu.memory_space<hbm>>
        %dma_start3A_287 = tpu.memref_squeeze %dma_start3A_286 : memref<1x1x8192xf32, #tpu.memory_space<hbm>> -> memref<8192xf32, #tpu.memory_space<hbm>>
        %dma_start3A_288 = arith.constant 0 : i32
        %dma_start3A_289 = tpu.memref_slice %arg7[%dma_start3A_282, %dma_start3A_288] : memref<2x8192xf32, #tpu.memory_space<vmem>> -> memref<1x8192xf32, #tpu.memory_space<vmem>>
        %dma_start3A_290 = tpu.memref_squeeze %dma_start3A_289 : memref<1x8192xf32, #tpu.memory_space<vmem>> -> memref<8192xf32, #tpu.memory_space<vmem>>
        %dma_start3A_291 = tpu.memref_slice %arg3[%dma_start3A_281, %select_n3A, %add3A_268] : memref<2x16x262144xf32, #tpu.memory_space<hbm>> -> memref<1x1x8192xf32, #tpu.memory_space<hbm>>
        %dma_start3A_292 = tpu.memref_squeeze %dma_start3A_291 : memref<1x1x8192xf32, #tpu.memory_space<hbm>> -> memref<8192xf32, #tpu.memory_space<hbm>>
        tpu.enqueue_dma source(%dma_start3A_292 : memref<8192xf32, #tpu.memory_space<hbm>>) target(%dma_start3A_290 : memref<8192xf32, #tpu.memory_space<vmem>>) target_semaphore(%arg11 : memref<!tpu.dma_semaphore, #tpu.memory_space<semaphore_mem>>)
      } else {
      }
    }
    %scan3A_101 = arith.constant 8 : i32
    %dma_wait3A_102 = arith.constant 0 : i32
    %dma_wait3A_103 = arith.constant 0 : i32
    %dma_wait3A_104 = arith.constant 0 : i32
    %dma_wait3A_105 = tpu.memref_slice %arg8[%dma_wait3A_102, %dma_wait3A_103, %dma_wait3A_104] : memref<2x16x512xf32, #tpu.memory_space<vmem>> -> memref<1x16x512xf32, #tpu.memory_space<vmem>>
    %dma_wait3A_106 = tpu.memref_squeeze %dma_wait3A_105 : memref<1x16x512xf32, #tpu.memory_space<vmem>> -> memref<16x512xf32, #tpu.memory_space<vmem>>
    %dma_wait3A_107 = arith.constant 0 : i32
    %dma_wait3A_108 = tpu.memref_slice %arg4[%select_n3A, %mul3A_34, %dma_wait3A_107] : memref<16x512x512xf32, #tpu.memory_space<hbm>> -> memref<1x16x512xf32, #tpu.memory_space<hbm>>
    %dma_wait3A_109 = tpu.memref_squeeze %dma_wait3A_108 : memref<1x16x512xf32, #tpu.memory_space<hbm>> -> memref<16x512xf32, #tpu.memory_space<hbm>>
    %dma_wait3A_110 = arith.constant 0 : i32
    %dma_wait3A_111 = tpu.memref_slice %arg4[%select_n3A, %mul3A_34, %dma_wait3A_110] : memref<16x512x512xf32, #tpu.memory_space<hbm>> -> memref<1x16x512xf32, #tpu.memory_space<hbm>>
    %dma_wait3A_112 = tpu.memref_squeeze %dma_wait3A_111 : memref<1x16x512xf32, #tpu.memory_space<hbm>> -> memref<16x512xf32, #tpu.memory_space<hbm>>
    %dma_wait3A_113 = arith.constant 0 : i32
    %dma_wait3A_114 = arith.constant 0 : i32
    %dma_wait3A_115 = tpu.memref_slice %arg8[%dma_wait3A_102, %dma_wait3A_113, %dma_wait3A_114] : memref<2x16x512xf32, #tpu.memory_space<vmem>> -> memref<1x16x512xf32, #tpu.memory_space<vmem>>
    %dma_wait3A_116 = tpu.memref_squeeze %dma_wait3A_115 : memref<1x16x512xf32, #tpu.memory_space<vmem>> -> memref<16x512xf32, #tpu.memory_space<vmem>>
    tpu.wait_dma2 semaphore(%arg12 : memref<!tpu.dma_semaphore, #tpu.memory_space<semaphore_mem>>) src(%dma_wait3A_116 : memref<16x512xf32, #tpu.memory_space<vmem>>) dst(%dma_wait3A_112 : memref<16x512xf32, #tpu.memory_space<hbm>>)
    %dma_wait3A_117 = arith.constant 1 : i32
    %dma_wait3A_118 = arith.constant 0 : i32
    %dma_wait3A_119 = arith.constant 0 : i32
    %dma_wait3A_120 = tpu.memref_slice %arg8[%dma_wait3A_117, %dma_wait3A_118, %dma_wait3A_119] : memref<2x16x512xf32, #tpu.memory_space<vmem>> -> memref<1x16x512xf32, #tpu.memory_space<vmem>>
    %dma_wait3A_121 = tpu.memref_squeeze %dma_wait3A_120 : memref<1x16x512xf32, #tpu.memory_space<vmem>> -> memref<16x512xf32, #tpu.memory_space<vmem>>
    %dma_wait3A_122 = arith.constant 0 : i32
    %dma_wait3A_123 = tpu.memref_slice %arg4[%select_n3A, %mul3A_34, %dma_wait3A_122] : memref<16x512x512xf32, #tpu.memory_space<hbm>> -> memref<1x16x512xf32, #tpu.memory_space<hbm>>
    %dma_wait3A_124 = tpu.memref_squeeze %dma_wait3A_123 : memref<1x16x512xf32, #tpu.memory_space<hbm>> -> memref<16x512xf32, #tpu.memory_space<hbm>>
    %dma_wait3A_125 = arith.constant 0 : i32
    %dma_wait3A_126 = tpu.memref_slice %arg4[%select_n3A, %mul3A_34, %dma_wait3A_125] : memref<16x512x512xf32, #tpu.memory_space<hbm>> -> memref<1x16x512xf32, #tpu.memory_space<hbm>>
    %dma_wait3A_127 = tpu.memref_squeeze %dma_wait3A_126 : memref<1x16x512xf32, #tpu.memory_space<hbm>> -> memref<16x512xf32, #tpu.memory_space<hbm>>
    %dma_wait3A_128 = arith.constant 0 : i32
    %dma_wait3A_129 = arith.constant 0 : i32
    %dma_wait3A_130 = tpu.memref_slice %arg8[%dma_wait3A_117, %dma_wait3A_128, %dma_wait3A_129] : memref<2x16x512xf32, #tpu.memory_space<vmem>> -> memref<1x16x512xf32, #tpu.memory_space<vmem>>
    %dma_wait3A_131 = tpu.memref_squeeze %dma_wait3A_130 : memref<1x16x512xf32, #tpu.memory_space<vmem>> -> memref<16x512xf32, #tpu.memory_space<vmem>>
    tpu.wait_dma2 semaphore(%arg13 : memref<!tpu.dma_semaphore, #tpu.memory_space<semaphore_mem>>) src(%dma_wait3A_131 : memref<16x512xf32, #tpu.memory_space<vmem>>) dst(%dma_wait3A_127 : memref<16x512xf32, #tpu.memory_space<hbm>>)
    return
  }
}

</mosaic_0001>

<sc_bundles>
// kernel: kernel.3.cloned.1.call-start
scs
__scs_entry_jumppad:
0x0: {  	(pc) =	sbr.rel $0x88, $3  }
0x1: {  	(tag) =	ssettag $0x0;
	lr =	simm.s32 $0x1  }
0x2: {  	[smem:$0x3F9F] =	sst lr;
	_ =	strace $0xD0000000  }
0x3: {  	_ = 	snop  }
0x4: {  	_ = 	snop  }
0x5: {  	_ = 	snop  }
0x6: {  	_ = 	snop  }
0x7: {  	_ = 	snop  }
__scs_overlays_trampoline_lowered:
0x8: {  	[smem:$0x3FAE] =	sst s0  }
0x9: {  	[smem:$0x3FAF] =	sst s1  }
0xa: {  	[smem:$0x3FB0] =	sst s2  }
0xb: {  	[smem:$0x3FB1] =	sst s3  }
0xc: {  	[smem:$0x3FB2] =	sst s4  }
0xd: {  	[smem:$0x3FB3] =	sst s5  }
0xe: {  	[smem:$0x3FB4] =	sst s6  }
0xf: {  	[smem:$0x3FB5] =	sst s7  }
0x10: {  	[smem:$0x3FB6] =	sst s8  }
0x11: {  	[smem:$0x3FB7] =	sst s9;
	s0 =	simm.s32 @!p0 $0x0  }
0x12: {  	s1 =	sld [smem:$0x3F9D];
	s0 =	simm.s32 @p0 $0x1  }
0x13: {  	[smem:$0x3FB8] =	sst s0;
	s0 =	simm.s32 @!p1 $0x0  }
0x14: {  	s2 =	sld [smem:$0x3F9C];
	s0 =	simm.s32 @p1 $0x1  }
0x15: {  	[smem:$0x3FB9] =	sst s0;
	s0 =	simm.s32 @!p2 $0x0  }
0x16: {  	s3 =	sld [smem:$0x3FDB];
	s0 =	simm.s32 @p2 $0x1  }
0x17: {  	s4 =	simm.s32 $0x1BF5;
	[smem:$0x3FBB] =	sst s0  }
0x18: {  	s0 =	sld [smem:$0x3F9E];
	_ =	swait.ge [sflag:s4], $0x0  }
0x19: {  	s7 =	sld [smem:$0x3F9F]  }
0x1a: {  	s8 =	sadd.s32 $0xFFFFE003, lr  }
0x1b: {  	s9 =	sadd.s32 $0xFFFFFEF7, lr;
	s5 =	simm.s32 $0xFFFFFFFF;
	p2 =	slt.u32 s8, $0xFFFFF086  }
0x1c: {  	p1 =	slt.u32 s9, $0xF7A;
	s5 =	simm.s32 @!p2 $0x0  }
0x1d: {  	s5 =	simm.s32 @p1 $0x1;
	p0 =	seq.s32 s7, s2  }
0x1e: {  	s7 =	smul.u32 @!p0 $0xF7A, s2;
	p2 =	seq.s32 @!p0 s5, $0x0  }
0x1f: {  	s9 =	smul.u32 $0xF7A, s1;
	s8 =	simm.s32 @!p0 $0x1BF5;
	p2 =	por !p2, p0  }
0x20: {  	[sflag:s8] =	ssyncset.s32 @!p0 $0xFFFFF086;
	s6 =	sadd.s32 @!p0 s3, s7;
	s7 =	simm.s32 @!p0 $0x108  }
0x21: {  	s3 =	sadd.s32 s3, s9;
	s6 =	sadd.s32 @!p0 $0x88, s6;
	s7 =	simm.s32 @p2 $0x1082  }
0x22: {  	[simem:s7], [sflag:s8] =	dma.local @!p0 [hbm:s6], $0xF7A  }
0x23: {  	s9 =	sor.u32 $0xD0000000, s2;
	s6 =	simm.s32 $0x108;
	_ =	swait.ge @!p0 [sflag:s8], $0x0  }
0x24: {  	s3 =	sadd.s32 $0x88, s3;
	s6 =	simm.s32 @!p1 $0x1082;
	[sflag:s4] =	ssyncset.s32 $0xFFFFF086  }
0x25: {  	[simem:s6], [sflag:s4] =	dma.local [hbm:s3], $0xF7A  }
0x26: {  	[smem:$0x3F9F] =	sst s1;
	(tag) =	ssettag s2;
	_ =	strace s9  }
0x27: {  	s1 =	sld [smem:$0x3FAF]  }
0x28: {  	s2 =	sld [smem:$0x3FB0]  }
0x29: {  	s4 =	sld [smem:$0x3FB2]  }
0x2a: {  	p0 =	seq.s32 s5, $0x0;
	s5 =	sld [smem:$0x3FB3]  }
0x2b: {  	s6 =	sld [smem:$0x3FB4]  }
0x2c: {  	s7 =	sld [smem:$0x3FB5]  }
0x2d: {  	s3 =	simm.s32 $0x108;
	s8 =	sld [smem:$0x3FB6]  }
0x2e: {  	s3 =	simm.s32 @!p0 $0x1082;
	s9 =	sld [smem:$0x3FB7]  }
0x2f: {  	lr =	sadd.s32 s0, s3;
	s0 =	sld [smem:$0x3FAE]  }
0x30: {  	s3 =	sld [smem:$0x3FB1]  }
0x31: {  	[smem:$0x3FBA] =	sst s10  }
0x32: {  	s10 =	sld [smem:$0x3FB8];
	_ =	sdelay $0x3  }
0x33: {  	p0 =	seq.s32 s10, $0x1;
	s10 =	sld [smem:$0x3FBA];
	_ =	sdelay $0x3  }
0x34: {  	[smem:$0x3FBA] =	sst s10  }
0x35: {  	s10 =	sld [smem:$0x3FB9];
	_ =	sdelay $0x3  }
0x36: {  	p1 =	seq.s32 s10, $0x1;
	s10 =	sld [smem:$0x3FBA];
	_ =	sdelay $0x3  }
0x37: {  	[smem:$0x3FBA] =	sst s10  }
0x38: {  	s10 =	sld [smem:$0x3FBB]  }
0x39: {  	_ = 	snop;
	(pc) =	sbr.ind lr, $3  }
0x3a: {  	_ = 	snop  }
0x3b: {  	_ = 	snop  }
0x3c: {  	p2 =	seq.s32 s10, $0x1;
	s10 =	sld [smem:$0x3FBA]  }
0x3d: {  	_ =	shalt  }
0x3e: {  	_ =	shalt  }
0x3f: {  	_ =	shalt  }
0x40: {  	_ =	shalt  }
0x41: {  	_ =	shalt  }
0x42: {  	_ =	shalt  }
0x43: {  	_ =	shalt  }
0x44: {  	_ =	shalt  }
0x45: {  	_ =	shalt  }
0x46: {  	_ =	shalt  }
0x47: {  	_ =	shalt  }
0x48: {  	_ =	shalt  }
0x49: {  	_ =	shalt  }
0x4a: {  	_ =	shalt  }
0x4b: {  	_ =	shalt  }
0x4c: {  	_ =	shalt  }
0x4d: {  	_ =	shalt  }
0x4e: {  	_ =	shalt  }
0x4f: {  	_ =	shalt  }
0x50: {  	_ =	shalt  }
0x51: {  	_ =	shalt  }
0x52: {  	_ =	shalt  }
0x53: {  	_ =	shalt  }
0x54: {  	_ =	shalt  }
0x55: {  	_ =	shalt  }
0x56: {  	_ =	shalt  }
0x57: {  	_ =	shalt  }
0x58: {  	_ =	shalt  }
0x59: {  	_ =	shalt  }
0x5a: {  	_ =	shalt  }
0x5b: {  	_ =	shalt  }
0x5c: {  	_ =	shalt  }
0x5d: {  	_ =	shalt  }
0x5e: {  	_ =	shalt  }
0x5f: {  	_ =	shalt  }
0x60: {  	_ =	shalt  }
0x61: {  	_ =	shalt  }
0x62: {  	_ =	shalt  }
0x63: {  	_ =	shalt  }
0x64: {  	_ =	shalt  }
0x65: {  	_ =	shalt  }
0x66: {  	_ =	shalt  }
0x67: {  	_ =	shalt  }
0x68: {  	_ =	shalt  }
0x69: {  	_ =	shalt  }
0x6a: {  	_ =	shalt  }
0x6b: {  	_ =	shalt  }
0x6c: {  	_ =	shalt  }
0x6d: {  	_ =	shalt  }
0x6e: {  	_ =	shalt  }
0x6f: {  	_ =	shalt  }
0x70: {  	_ =	shalt  }
0x71: {  	_ =	shalt  }
0x72: {  	_ =	shalt  }
0x73: {  	_ =	shalt  }
0x74: {  	_ =	shalt  }
0x75: {  	_ =	shalt  }
0x76: {  	_ =	shalt  }
0x77: {  	_ =	shalt  }
0x78: {  	_ =	shalt  }
0x79: {  	_ =	shalt  }
0x7a: {  	_ =	shalt  }
0x7b: {  	_ =	shalt  }
0x7c: {  	_ =	shalt  }
0x7d: {  	_ =	shalt  }
0x7e: {  	_ =	shalt  }
0x7f: {  	_ =	shalt  }
0x80: {  	_ =	shalt  }
0x81: {  	_ =	shalt  }
0x82: {  	_ =	shalt  }
0x83: {  	_ =	shalt  }
0x84: {  	_ =	shalt  }
0x85: {  	_ =	shalt  }
0x86: {  	_ =	shalt  }
0x87: {  	_ =	shalt  }
.Lfunc_end0:
.L_simem_size_0:
called_computation_lowered:
.L_overlay_start_0:
0x88: {  	s2 =	sld [smem:$0x3FD9]  }
0x89: {  	s3 =	sld [smem:$0x3FFE];
	_ =	sdelay $0x1  }
0x8a: {  	s1 =	srdreg.scid  }
0x8b: {  	s0 =	sand.u32 $0x1, s1  }
0x8c: {  	s17 =	sshll.u32 s0, $0xA;
	s2 =	sadd.s32 s3, s2  }
0x8d: {  	s2 =	sadd.s32 s2, s17  }
0x8e: {  	[smem:$0x3FC6] =	sst s2  }
0x8f: {  	_ = 	snop  }
0x90: {  	s2 =	sld [smem:$0x3FD0];
	(tm) =	ssettm $0x1  }
0x91: {  	s18 =	sld [smem:$0x3FFB];
	_ =	sdelay $0x3  }
0x92: {  	_ =	strace s18  }
0x93: {  	s3 =	sld [smem:$0x3FFC];
	_ =	sdelay $0x3  }
0x94: {  	_ =	strace s3  }
0x95: {  	s3 =	sld [smem:$0x3FFD];
	_ =	sdelay $0x3  }
0x96: {  	_ =	strace s3  }
0x97: {  	_ =	strace $0x8FFFFFFF  }
0x98: {  	s19 =	sld [smem:$0x3FDB];
	_ =	sdelay $0x1  }
0x99: {  	s4 =	simm.s32 $_scs_section_size  }
0x9a: {  	s5 =	simm.s32 $_size__tile_overlayer_lowered;
	s6 =	simm.s32 $_tile_overlayer_lowered  }
0x9b: {  	s22 =	simm.s32 $0x1BFF;
	s21 =	sshll.u32 s6, $0x1;
	s3 =	sadd.s32 s4, s19  }
0x9c: {  	s7 =	simm.s32 $0x0;
	s20 =	sshll.u32 s5, $0x1;
	s5 =	sadd.s32 s21, s3  }
0x9d: {  	[timem:s7], [sflag:s22] =	dma.local [hbm:s5], s20  }
0x9e: {  	_ =	swait.ge [sflag:s22], s20  }
0x9f: {  	s4 =	ssub.s32 $0x0, s20;
	[sflag:s22] =	ssyncset.done $0x0  }
0xa0: {  	[sflag:s22] =	ssyncadd.s32 s4;
	_ =	sdelay $0x1  }
0xa1: {  	s23 =	simm.s32 $0x1B8B  }
0xa2: {  	_ =	swait.ge [sflag:s23], $0x1  }
0xa3: {  	[sflag:s23] =	ssyncset.done $0x0  }
0xa4: {  	s25 =	simm.s32 $0x1B8E;
	s24 =	sld [smem:$0x3FFE];
	[sflag:s23] =	ssyncadd.s32 $0xFFFFFFFF  }
0xa5: {  	s26 =	simm.s32 $execute0_lowered;
	[smem:$0x3FD2] =	sst s25  }
0xa6: {  	s5 =	sshll.u32 s26, $0x1;
	_ =	strace $0x80000046;
	[dreg:$0x1] =	wrdreg $0xFFFFFFFF  }
0xa7: {  	s28 =	simm.s32 $_size_execute0_lowered;
	s3 =	sadd.s32 s3, s5;
	[dreg:$0x0] =	wrdreg $0x0  }
0xa8: {  	s5 =	sshll.u32 s28, $0x1;
	[dreg:$0x2] =	wrdreg s3  }
0xa9: {  	[dreg:$0x3] =	wrdreg s5  }
0xaa: {  	[dreg:$0x4] =	wrdreg $0xC0  }
0xab: {  	_ =	task [dreg:s7], $0x5FFFF  }
0xac: {  	[dreg:$0x1] =	wrdreg $0xFFFFFFFF  }
0xad: {  	[dreg:$0x0] =	wrdreg $0x60  }
0xae: {  	[dreg:$0x2] =	wrdreg s24  }
0xaf: {  	[dreg:$0x3] =	wrdreg s2  }
0xb0: {  	[dreg:$0x4] =	wrdreg $0x9  }
0xb1: {  	_ =	task.clear_ibuf [dreg:s7], $0x5FFFF;
	_ =	strace $0x90000046  }
0xb2: {  	s29 =	simm.s32 $0x9;
	_ =	strace $0x80000048  }
0xb3: {  	_ =	swait.ge [sflag:s29], $0x1  }
0xb4: {  	[sflag:s29] =	ssyncadd.s32 $0xFFFFFFFF  }
0xb5: {  	_ =	strace $0x90000048  }
0xb6: {  	_ =	sfence  }
0xb7: {  	s30 =	sld [smem:$0x0];
	_ =	sdelay $0x2  }
0xb8: {  	s31 =	sshll.u32 s1, $0xD;
	s1 =	sshrl.u32 s1, $0x2  }
0xb9: {  	s3 =	sand.u32 $0x4000, s31;
	s1 =	sadd.s32 s1, s30  }
0xba: {  	s0 =	sor.u32 s3, s0;
	s1 =	sshll.u32 s1, $0x11  }
0xbb: {  	s0 =	sor.u32 s1, s0  }
0xbc: {  	s0 =	sadd.s32 $0x8F2B, s0  }
0xbd: {  	[sflag:s0] =	ssyncadd.remote.s32 $0x1  }
0xbe: {  	_ =	sfence.sel $0xFFFF  }
0xbf: {  	[dreg:$0x0] =	wrdreg $0xFFFFFFFF;
	(pc) =	sbr.abs _section_cstart, $3  }
0xc0: {  	[dreg:$0x1] =	wrdreg $0xFFFFFFFF  }
0xc1: {  	_ =	task.clear_ibuf [dreg:s7], $0x2FFFF;
	_ =	strace $0x9FFFFFFF  }
0xc2: {  	(tm) =	ssettm $0x7FFFFFFF  }
0xc3: {  	_ =	shalt  }
tec
execute0_lowered:
.L_overlay_start_1:
0x0: {  	(tag) =	ssettag $0x1  }
0x1: {  	s0 =	srdreg.scid  }
0x2: {  	s2 =	stileid.u32;
	s5 =	rddreg [dreg:$0x0]  }
0x3: {  	s19 =	simm.s32 $0x2;
	s20 =	simm.s32 $0x18000;
	s0 =	sand.u32 $0x1, s0  }
0x4: {  	s21 =	simm.s32 $0x3;
	s22 =	simm.s32 $0x1A000;
	s1 =	sor.u32 s0, s2  }
0x5: {  	s23 =	simm.s32 $0x4;
	p1 =	seq.s32 s0, $0x1;
	p0 =	seq.s32 s1, $0x0  }
0x6: {  	s24 =	simm.s32 $0x5;
	s25 =	simm.s32 $0x0;
	p0 =	por !p0, !p1  }
0x7: {  	s8 =	ssub.s32 $0x2, s0;
	s1 =	simm.s32 $0x1;
	p0 =	por !p0, !p0  }
0x8: {  	s15 =	sshll.u32 s0, $0x14;
	s9 =	sshrl.u32 s8, $0x1;
	s1 =	simm.s32 @!p0 $0x0  }
0x9: {  	s0 =	sshll.u32 s0, $0x11;
	s16 =	ssub.s32 s8, s9;
	s1 =	ssub.s32 s2, s1  }
0xa: {  	s16 =	smax.u32 s16, $0x1;
	s2 =	rddreg [dreg:$0x1];
	s3 =	sshll.u32 s1, $0x7  }
0xb: {  	s6 =	sshrl.u32 s1, $0x3;
	s1 =	sshll.u32 s1, $0x12;
	s12 =	sand.u32 $0x380, s3  }
0xc: {  	s4 =	sshll.u32 s6, $0x13;
	s3 =	simm.s32 $0x0;
	s11 =	sshll.u32 s6, $0x15  }
0xd: {  	s4 =	sor.u32 s12, s4;
	[smem:$0x7FF] =	sst s3;
	s10 =	sor.u32 s15, s12  }
0xe: {  	s13 =	sadd.s32 $0x400000, s11;
	s7 =	sshrl.u32 s4, $0x3;
	_ =	strace $0x80000047  }
0xf: {  	s4 =	simm.s32 $0x1;
	s26 =	sor.u32 s11, s10;
	s30 =	sor.u32 s13, s10  }
0x10: {  	s31 =	sor.u32 $0x10000, s10;
	s7 =	sadd.s32 s7, s5;
	s5 =	sadd.s32 $0x20400, s5  }
0x11: {  	s29 =	sshrl.u32 s26, $0x3;
	s8 =	sshrl.u32 s30, $0x3;
	s10 =	sor.u32 s11, s31  }
.Ltmp0:
0x12: {  	s9 =	sor.u32 s13, s31;
	s11 =	sor.u32 s12, s11;
	(pc) =	sbr.rel .LBB2_1-.Ltmp0, $4  }
0x13: {  	s12 =	sor.u32 s12, s13;
	s13 =	sor.u32 s0, s1;
	s28 =	sadd.s32 $0x400, s7  }
0x14: {  	s7 =	sadd.s32 s5, s29;
	s8 =	sadd.s32 s5, s8;
	s10 =	sshrl.u32 s10, $0x3  }
0x15: {  	s14 =	sshrl.u32 s9, $0x3;
	[dreg:$0x3] =	wrdreg s28;
	s9 =	sadd.s32 s5, s10  }
0x16: {  	s10 =	sadd.s32 s5, s14;
	s14 =	sor.u32 $0x20000, s15;
	s15 =	sor.u32 $0x30000, s15  }
.LBB2_26:
0x17: {  	s25 =	sadd.s32 $0x1, s25  }
0x18: {  	_ =	swait.ge [sflag:s23], $0x2000;
	p0 =	sne.s32 s25, s16  }
.Ltmp1:
0x19: {  	[sflag:s23] =	ssyncset.done $0x0;
	(pc) =	sbr.rel @!p0 .LBB2_27-.Ltmp1, $4  }
0x1a: {  	[sflag:s23] =	ssyncadd.s32 $0xFFFFE000  }
0x1b: {  	_ =	swait.ge [sflag:s24], $0x2000  }
0x1c: {  	[sflag:s24] =	ssyncset.done $0x0  }
0x1d: {  	[sflag:s24] =	ssyncadd.s32 $0xFFFFE000  }
.LBB2_1:
0x1e: {  	s0 =	rddreg [dreg:$0x3]  }
0x1f: {  	s1 =	simm.s32 $0x80;
	s6 =	simm.s32 $0x400;
	s18 =	sadd.s32 $0x0, s7  }
0x20: {  	[tilespmem:s3], [sflag:$0x1] =	stream.strided.gather [hbm4b:s0+s1], $0x10000, s6, s1, $0x38;
	[tilespmem:$0x1C000] =	vst v63  }
0x21: {  	s17 =	simm.s32 $0x10100;
	s0 =	simm.s32 $0x10000;
	s1 =	simm.s32 $0x80  }
.LBB2_2:
0x22: {  	[tilespmem:s0], [sflag:$0x2] =	stream.linear.gather [hbm4b:s18+s3], $0x80, $0x38;
	[tilespmem:$0x1C000] =	vst v63  }
0x23: {  	s18 =	smov.u32 s1;
	s0 =	smov.u32 s17;
	p0 =	sne.s32 s1, $0x1F80  }
.Ltmp2:
0x24: {  	s1 =	sadd.s32 $0x80, s1;
	(pc) =	sbr.rel @p0 .LBB2_2-.Ltmp2, $2  }
0x25: {  	_ =	sdelay $0x2  }
0x26: {  	s17 =	sadd.s32 $0x100, s17;
	s18 =	sadd.s32 s18, s7  }
0x27: {  	[tilespmem:s0], [sflag:$0x2] =	stream.linear.gather [hbm4b:s18+s3], $0x80, $0x38;
	[tilespmem:$0x1C000] =	vst v63  }
0x28: {  	s0 =	simm.s32 $0x14000  }
0x29: {  	s1 =	simm.s32 $0x80;
	s18 =	sadd.s32 $0x0, s8;
	s17 =	simm.s32 $0x14100  }
.LBB2_4:
0x2a: {  	[tilespmem:s0], [sflag:$0x2] =	stream.linear.gather [hbm4b:s18+s3], $0x80, $0x38;
	[tilespmem:$0x1C000] =	vst v63  }
0x2b: {  	s18 =	smov.u32 s1;
	s0 =	smov.u32 s17;
	p0 =	sne.s32 s1, $0x1F80  }
.Ltmp3:
0x2c: {  	s1 =	sadd.s32 $0x80, s1;
	(pc) =	sbr.rel @p0 .LBB2_4-.Ltmp3, $2  }
0x2d: {  	_ =	sdelay $0x2  }
0x2e: {  	s17 =	sadd.s32 $0x100, s17;
	s18 =	sadd.s32 s18, s8  }
0x2f: {  	[tilespmem:s0], [sflag:$0x2] =	stream.linear.gather [hbm4b:s18+s3], $0x80, $0x38;
	[tilespmem:$0x1C000] =	vst v63  }
0x30: {  	s0 =	simm.s32 $0x10080  }
0x31: {  	s1 =	simm.s32 $0x80;
	s18 =	sadd.s32 $0x0, s9;
	s17 =	simm.s32 $0x10180  }
.LBB2_6:
0x32: {  	[tilespmem:s0], [sflag:$0x3] =	stream.linear.gather [hbm4b:s18+s3], $0x80, $0x38;
	[tilespmem:$0x1C000] =	vst v63  }
0x33: {  	s18 =	smov.u32 s1;
	s0 =	smov.u32 s17;
	p0 =	sne.s32 s1, $0x1F80  }
.Ltmp4:
0x34: {  	s1 =	sadd.s32 $0x80, s1;
	(pc) =	sbr.rel @p0 .LBB2_6-.Ltmp4, $2  }
0x35: {  	_ =	sdelay $0x2  }
0x36: {  	s17 =	sadd.s32 $0x100, s17;
	s18 =	sadd.s32 s18, s9  }
0x37: {  	[tilespmem:s0], [sflag:$0x3] =	stream.linear.gather [hbm4b:s18+s3], $0x80, $0x38;
	[tilespmem:$0x1C000] =	vst v63  }
0x38: {  	s0 =	simm.s32 $0x14080  }
0x39: {  	s1 =	simm.s32 $0x80;
	s18 =	sadd.s32 $0x0, s10;
	s17 =	simm.s32 $0x14180  }
.LBB2_8:
0x3a: {  	[tilespmem:s0], [sflag:$0x3] =	stream.linear.gather [hbm4b:s18+s3], $0x80, $0x38;
	[tilespmem:$0x1C000] =	vst v63  }
0x3b: {  	s18 =	smov.u32 s1;
	s0 =	smov.u32 s17;
	p0 =	sne.s32 s1, $0x1F80  }
.Ltmp5:
0x3c: {  	s1 =	sadd.s32 $0x80, s1;
	(pc) =	sbr.rel @p0 .LBB2_8-.Ltmp5, $2  }
0x3d: {  	_ =	sdelay $0x2  }
0x3e: {  	s17 =	sadd.s32 $0x100, s17;
	s18 =	sadd.s32 s18, s10  }
0x3f: {  	[tilespmem:s0], [sflag:$0x3] =	stream.linear.gather [hbm4b:s18+s3], $0x80, $0x38;
	[tilespmem:$0x1C000] =	vst v63  }
0x40: {  	_ =	swait.ge [sflag:s4], $0x10000  }
0x41: {  	[sflag:s4] =	ssyncset.done $0x0  }
0x42: {  	s26 =	simm.s32 $0x0;
	[sflag:s4] =	ssyncadd.s32 $0xFFFF0000  }
.LBB2_10:
0x43: {  	_ =	swait.ge [sflag:s19], $0x2000  }
0x44: {  	[sflag:s19] =	ssyncset.done $0x0  }
0x45: {  	[sflag:s19] =	ssyncadd.s32 $0xFFFFE000  }
0x46: {  	_ =	swait.ge [sflag:s19], $0x2000  }
0x47: {  	p0 =	seq.s32 s26, $0x0;
	[sflag:s19] =	ssyncset.done $0x0  }
0x48: {  	s0 =	simm.s32 @!p0 $0x4;
	[sflag:s19] =	ssyncadd.s32 $0xFFFFE000  }
0x49: {  	s28 =	sshll.u32 s26, $0x11;
	_ =	swait.ge @!p0 [sflag:s0], $0x2000  }
0x4a: {  	s1 =	simm.s32 $0x10200;
	s29 =	simm.s32 $0x0;
	[sflag:s0] =	ssyncset.done @!p0 $0x0  }
0x4b: {  	s30 =	simm.s32 $0x0;
	[sflag:s0] =	ssyncadd.s32 @!p0 $0xFFFFE000;
	s0 =	simm.s32 $0x14200  }
.LBB2_11:
0x4c: {  	v0 =	vld [tilespmem:s1+$0xFFFFFE00]  }
0x4d: {  	v1 =	vld [tilespmem:s0+$0xFFFFFE00]  }
0x4e: {  	v4 =	vld [tilespmem:s1+$0xFFFFFE10]  }
0x4f: {  	v7 =	vld [tilespmem:s0+$0xFFFFFE10];
	_ =	sdelay $0x3  }
0x50: {  	v0 =	vmul.f32 $2.550000000e+02, v0;
	v1 =	vmul.f32 $2.550000000e+02, v1  }
0x51: {  	v4 =	vmul.f32 $2.550000000e+02, v4;
	v58 =	vmul.f32 $2.550000000e+02, v7  }
0x52: {  	v2 =	vtrunc.f32 v0;
	v3 =	vtrunc.f32 v1  }
0x53: {  	v11 =	vtrunc.f32 v4;
	v60 =	vtrunc.f32 v58  }
0x54: {  	v2 =	vcvt.f32.s32 v2;
	v3 =	vcvt.f32.s32 v3  }
0x55: {  	v59 =	vcvt.f32.s32 v11;
	v11 =	vcvt.f32.s32 v60  }
0x56: {  	v5 =	vadd.s32 $0x1, v2;
	v6 =	vadd.s32 $0x1, v3;
	v8 =	vshll.u32 v2, $0x8  }
0x57: {  	v17 =	vld [tilespmem:s1+$0xFFFFFE20];
	v12 =	vadd.s32 $0x1, v59;
	v13 =	vshll.u32 v59, $0x8;
	v14 =	vadd.s32 $0x1, v11  }
0x58: {  	v62 =	vld [tilespmem:s0+$0xFFFFFE20];
	vm0 =	vlt.s32 v5, $0xFF;
	vm13 =	vlt.s32 v6, $0xFF;
	v9 =	vadd.s32 v3, v8  }
0x59: {  	v22 =	vld [tilespmem:s0+$0xFFFFFE40];
	v15 =	vadd.s32 v11, v13;
	vm15 =	vlt.s32 v14, $0xFF;
	v6 =	vnsel vm13, $0xFF, v6  }
0x5a: {  	v19 =	vld [tilespmem:s1+$0xFFFFFE40];
	v5 =	vnsel vm0, $0xFF, v5;
	v14 =	vnsel vm15, $0xFF, v14;
	v8 =	vadd.s32 v8, v6  }
0x5b: {  	vm14 =	vlt.s32 v12, $0xFF;
	v5 =	vshll.u32 v5, $0x8;
	v13 =	vadd.s32 v13, v14  }
0x5c: {  	v42 =	vld [tilespmem:s0+$0xFFFFFE30];
	v12 =	vnsel vm14, $0xFF, v12;
	v10 =	vadd.s32 v3, v5  }
0x5d: {  	v37 =	vmul.f32 $2.550000000e+02, v62;
	v12 =	vshll.u32 v12, $0x8;
	v5 =	vadd.s32 v6, v5;
	v9 =	vld.idx.msk [tilespmem:v9+s3+$0x0], $0xffff  }
0x5e: {  	v36 =	vmul.f32 $2.550000000e+02, v17;
	v22 =	vmul.f32 $2.550000000e+02, v22;
	v16 =	vadd.s32 v11, v12;
	v63 =	vld.idx.msk [tilespmem:v15+s3+$0x0], $0xffff  }
0x5f: {  	v19 =	vmul.f32 $2.550000000e+02, v19;
	v41 =	vtrunc.f32 v37;
	v61 =	vadd.s32 v14, v12;
	v8 =	vld.idx.msk [tilespmem:v8+s3+$0x0], $0xffff  }
0x60: {  	v26 =	vtrunc.f32 v22;
	v43 =	vcvt.f32.s32 v41;
	v35 =	vld.idx.msk [tilespmem:v13+s3+$0x0], $0xffff  }
0x61: {  	v38 =	vtrunc.f32 v36;
	v26 =	vcvt.f32.s32 v26;
	v10 =	vld.idx.msk [tilespmem:v10+s3+$0x0], $0xffff  }
0x62: {  	v50 =	vtrunc.f32 v19;
	v2 =	vcvt.s32.f32 v2;
	v45 =	vadd.s32 $0x1, v43;
	v5 =	vld.idx.msk [tilespmem:v5+s3+$0x0], $0xffff  }
0x63: {  	v34 =	vcvt.s32.f32 v59;
	v51 =	vadd.s32 $0x1, v26;
	vm5 =	vlt.s32 v45, $0xFF;
	v33 =	vld.idx.msk [tilespmem:v16+s3+$0x0], $0xffff  }
0x64: {  	v0 =	vsub.f32 v0, v2;
	v3 =	vcvt.s32.f32 v3;
	v2 =	vld.idx.msk [tilespmem:v61+s3+$0x0], $0xffff;
	v16 =	vmul.f32 $2.550000000e+02, v42  }
0x65: {  	vm9 =	vlt.s32 v51, $0xFF;
	v4 =	vsub.f32 v4, v34;
	v11 =	vcvt.s32.f32 v11  }
0x66: {  	v17 =	vnsel vm5, $0xFF, v45;
	v1 =	vsub.f32 v1, v3;
	v23 =	vtrunc.f32 v16  }
0x67: {  	v6 =	vsub.f32 v58, v11;
	v23 =	vcvt.f32.s32 v23;
	v10 =	vsub.f32 v10, v9  }
0x68: {  	v39 =	vld [tilespmem:s1+$0xFFFFFE30];
	v3 =	vcvt.s32.f32 v43;
	v5 =	vsub.f32 v5, v8;
	v40 =	vsub.f32 v33, v63  }
0x69: {  	v2 =	vsub.f32 v2, v35;
	v24 =	vadd.s32 $0x1, v23;
	v10 =	vmul.f32 v10, v0  }
0x6a: {  	vm7 =	vlt.s32 v24, $0xFF;
	v0 =	vmul.f32 v5, v0;
	v5 =	vcvt.f32.s32 v38  }
0x6b: {  	v12 =	vmul.f32 v40, v4;
	v2 =	vmul.f32 v2, v4;
	v49 =	vnsel vm7, $0xFF, v24  }
0x6c: {  	v24 =	vcvt.f32.s32 v50;
	v9 =	vadd.f32 v10, v9;
	v0 =	vadd.f32 v0, v8  }
0x6d: {  	v44 =	vadd.s32 $0x1, v5;
	v8 =	vmul.f32 $2.550000000e+02, v39;
	v18 =	vshll.u32 v5, $0x8  }
0x6e: {  	v5 =	vcvt.s32.f32 v5;
	v29 =	vadd.s32 $0x1, v24;
	v20 =	vadd.s32 v43, v18  }
0x6f: {  	v30 =	vshll.u32 v24, $0x8;
	vm4 =	vlt.s32 v44, $0xFF;
	v18 =	vadd.s32 v18, v17  }
0x70: {  	vm8 =	vlt.s32 v29, $0xFF;
	v31 =	vadd.s32 v26, v30;
	v15 =	vnsel vm4, $0xFF, v44  }
0x71: {  	v62 =	vld [tilespmem:s1+$0xFFFFFE50];
	v21 =	vtrunc.f32 v8;
	v5 =	vsub.f32 v36, v5;
	v15 =	vshll.u32 v15, $0x8  }
0x72: {  	v29 =	vnsel vm8, $0xFF, v29;
	v36 =	vld [tilespmem:s1+$0xFFFFFE70];
	v21 =	vcvt.f32.s32 v21;
	v46 =	vadd.s32 v43, v15  }
0x73: {  	v12 =	vadd.f32 v12, v63;
	v29 =	vshll.u32 v29, $0x8;
	v15 =	vadd.s32 v17, v15;
	v20 =	vld.idx.msk [tilespmem:v20+s3+$0x0], $0xffff  }
0x74: {  	v2 =	vadd.f32 v2, v35;
	v53 =	vadd.s32 v26, v29;
	v25 =	vshll.u32 v21, $0x8;
	v48 =	vld.idx.msk [tilespmem:v18+s3+$0x0], $0xffff  }
0x75: {  	v47 =	vadd.s32 $0x1, v21;
	v27 =	vadd.s32 v23, v25;
	v18 =	vnsel vm9, $0xFF, v51;
	v56 =	vld.idx.msk [tilespmem:v31+s3+$0x0], $0xffff  }
0x76: {  	v0 =	vsub.f32 v0, v9;
	vm6 =	vlt.s32 v47, $0xFF;
	v31 =	vld [tilespmem:s0+$0xFFFFFE60];
	v30 =	vadd.s32 v30, v18  }
0x77: {  	v2 =	vsub.f32 v2, v12;
	v17 =	vnsel vm6, $0xFF, v47;
	v18 =	vadd.s32 v18, v29;
	v4 =	vld.idx.msk [tilespmem:v46+s3+$0x0], $0xffff  }
0x78: {  	v0 =	vmul.f32 v0, v1;
	v25 =	vadd.s32 v25, v49;
	v17 =	vshll.u32 v17, $0x8;
	v15 =	vld.idx.msk [tilespmem:v15+s3+$0x0], $0xffff  }
0x79: {  	v2 =	vmul.f32 v2, v6;
	v28 =	vadd.s32 v23, v17;
	v17 =	vadd.s32 v49, v17;
	v58 =	vld.idx.msk [tilespmem:v53+s3+$0x0], $0xffff  }
0x7a: {  	v59 =	vcvt.s32.f32 v21;
	v21 =	vcvt.s32.f32 v23;
	v27 =	vld.idx.msk [tilespmem:v27+s3+$0x0], $0xffff  }
0x7b: {  	v1 =	vadd.f32 v0, v9;
	v9 =	vmul.f32 $2.550000000e+02, v62;
	v29 =	vcvt.s32.f32 v26;
	v57 =	vld.idx.msk [tilespmem:v30+s3+$0x0], $0xffff  }
0x7c: {  	v0 =	vadd.f32 v2, v12;
	v63 =	vsub.f32 v8, v59;
	v13 =	vmul.f32 $2.550000000e+02, v31;
	v60 =	vld.idx.msk [tilespmem:v18+s3+$0x0], $0xffff  }
0x7d: {  	v12 =	vsub.f32 v22, v29;
	v52 =	vld.idx.msk [tilespmem:v25+s3+$0x0], $0xffff;
	v18 =	vcvt.s32.f32 v24;
	v30 =	vtrunc.f32 v9  }
0x7e: {  	v40 =	vtrunc.f32 v13;
	v4 =	vsub.f32 v4, v20;
	v15 =	vsub.f32 v15, v48;
	v55 =	vld.idx.msk [tilespmem:v17+s3+$0x0], $0xffff  }
0x7f: {  	v54 =	vld.idx.msk [tilespmem:v28+s3+$0x0], $0xffff;
	v8 =	vsub.f32 v19, v18;
	v6 =	vsub.f32 v58, v56;
	v22 =	vcvt.f32.s32 v40  }
0x80: {  	v3 =	vsub.f32 v37, v3;
	v28 =	vld [tilespmem:s1+$0xFFFFFE60];
	v4 =	vmul.f32 v4, v5;
	v5 =	vmul.f32 v15, v5  }
0x81: {  	v18 =	vmul.f32 $2.550000000e+02, v36;
	v6 =	vmul.f32 v6, v8;
	v25 =	vsub.f32 v60, v57  }
0x82: {  	v43 =	vadd.s32 $0x1, v22;
	v4 =	vadd.f32 v4, v20;
	v5 =	vadd.f32 v5, v48;
	v20 =	vld [tilespmem:s0+$0xFFFFFE50]  }
0x83: {  	v38 =	vld [tilespmem:s0+$0xFFFFFE70];
	v45 =	vtrunc.f32 v18;
	vm13 =	vlt.s32 v43, $0xFF;
	v11 =	vsub.f32 v55, v52  }
0x84: {  	v15 =	vsub.f32 v54, v27;
	v8 =	vmul.f32 v25, v8;
	v5 =	vsub.f32 v5, v4  }
0x85: {  	v44 =	vnsel vm13, $0xFF, v43;
	v24 =	vmul.f32 v11, v63;
	v11 =	vmul.f32 $2.550000000e+02, v28  }
0x86: {  	v23 =	vmul.f32 v15, v63;
	v8 =	vadd.f32 v8, v57;
	v61 =	vmul.f32 v5, v3  }
0x87: {  	v5 =	vsub.f32 v16, v21;
	v10 =	vmul.f32 $2.550000000e+02, v20;
	v37 =	vtrunc.f32 v11  }
0x88: {  	v7 =	vadd.f32 v24, v52;
	v20 =	vmul.f32 $2.550000000e+02, v38;
	v24 =	vcvt.f32.s32 v45  }
0x89: {  	v2 =	vadd.f32 v61, v4;
	v4 =	vadd.f32 v6, v56;
	v6 =	vcvt.f32.s32 v30  }
0x8a: {  	v3 =	vadd.f32 v23, v27;
	v19 =	vcvt.f32.s32 v37;
	v32 =	vtrunc.f32 v10  }
0x8b: {  	v47 =	vtrunc.f32 v20;
	v51 =	vadd.s32 $0x1, v24;
	v14 =	vcvt.f32.s32 v32  }
0x8c: {  	v15 =	vsub.f32 v8, v4;
	v33 =	vcvt.s32.f32 v6;
	v34 =	vadd.s32 $0x1, v6  }
0x8d: {  	v6 =	vshll.u32 v6, $0x8;
	v42 =	vadd.s32 $0x1, v19;
	v46 =	vshll.u32 v19, $0x8  }
0x8e: {  	v26 =	vcvt.f32.s32 v47;
	vm14 =	vlt.s32 v51, $0xFF;
	v32 =	vshll.u32 v24, $0x8  }
0x8f: {  	vm10 =	vlt.s32 v34, $0xFF;
	vm12 =	vlt.s32 v42, $0xFF;
	v48 =	vadd.s32 v22, v46  }
0x90: {  	v25 =	vadd.s32 v46, v44;
	v30 =	vnsel vm14, $0xFF, v51;
	v35 =	vadd.s32 $0x1, v14  }
0x91: {  	v16 =	vnsel vm10, $0xFF, v34;
	v39 =	vadd.s32 v14, v6;
	v9 =	vsub.f32 v9, v33  }
0x92: {  	v8 =	vnsel vm12, $0xFF, v42;
	v53 =	vadd.s32 $0x1, v26;
	v34 =	vadd.s32 v26, v32  }
0x93: {  	v49 =	vld [tilespmem:s0+$0xFFFFFF00];
	v30 =	vshll.u32 v30, $0x8;
	vm11 =	vlt.s32 v35, $0xFF;
	v16 =	vshll.u32 v16, $0x8  }
0x94: {  	v52 =	vld [tilespmem:s1+$0xFFFFFF00];
	v8 =	vshll.u32 v8, $0x8;
	vm15 =	vlt.s32 v53, $0xFF;
	v54 =	vadd.s32 v26, v30  }
0x95: {  	v17 =	vnsel vm11, $0xFF, v35;
	v41 =	vadd.s32 v14, v16;
	v33 =	vnsel vm15, $0xFF, v53;
	v53 =	vld [tilespmem:s0+$0xFFFFFF20]  }
0x96: {  	v6 =	vadd.s32 v6, v17;
	v16 =	vadd.s32 v17, v16;
	v17 =	vadd.s32 v44, v8;
	v44 =	vld [tilespmem:s0+$0xFFFFFF10]  }
0x97: {  	v7 =	vsub.f32 v7, v3;
	v27 =	vld.idx.msk [tilespmem:v48+s3+$0x0], $0xffff  }
0x98: {  	v56 =	vcvt.s32.f32 v19;
	v25 =	vld.idx.msk [tilespmem:v25+s3+$0x0], $0xffff  }
0x99: {  	v5 =	vmul.f32 v7, v5;
	v50 =	vadd.s32 v22, v8;
	v8 =	vmul.f32 $2.550000000e+02, v49;
	v21 =	vld.idx.msk [tilespmem:v39+s3+$0x0], $0xffff  }
0x9a: {  	v31 =	vmul.f32 $2.550000000e+02, v52;
	v45 =	vcvt.s32.f32 v26;
	v57 =	vld.idx.msk [tilespmem:v34+s3+$0x0], $0xffff  }
0x9b: {  	v47 =	vmul.f32 v15, v12;
	v55 =	vtrunc.f32 v8;
	v61 =	vld.idx.msk [tilespmem:v54+s3+$0x0], $0xffff  }
0x9c: {  	v32 =	vadd.s32 v32, v33;
	v30 =	vadd.s32 v33, v30;
	v33 =	vcvt.f32.s32 v55;
	v55 =	vld [tilespmem:s1+$0xFFFFFF20]  }
0x9d: {  	v11 =	vsub.f32 v11, v56;
	v14 =	vcvt.s32.f32 v14;
	v35 =	vtrunc.f32 v31;
	v23 =	vld.idx.msk [tilespmem:v41+s3+$0x0], $0xffff  }
0x9e: {  	v3 =	vadd.f32 v5, v3;
	v22 =	vcvt.s32.f32 v22;
	v58 =	vcvt.f32.s32 v35;
	v29 =	vld.idx.msk [tilespmem:v50+s3+$0x0], $0xffff  }
0x9f: {  	v24 =	vcvt.s32.f32 v24;
	v5 =	vadd.f32 v47, v4;
	v49 =	vsub.f32 v20, v45;
	v6 =	vld.idx.msk [tilespmem:v6+s3+$0x0], $0xffff  }
0xa0: {  	v10 =	vsub.f32 v10, v14;
	v43 =	vsub.f32 v13, v22;
	v51 =	vcvt.s32.f32 v58;
	v16 =	vld.idx.msk [tilespmem:v16+s3+$0x0], $0xffff  }
0xa1: {  	v62 =	vshll.u32 v58, $0x8;
	v63 =	vadd.s32 $0x1, v58;
	v39 =	vsub.f32 v18, v24;
	v17 =	vld.idx.msk [tilespmem:v17+s3+$0x0], $0xffff  }
0xa2: {  	vm5 =	vlt.s32 v63, $0xFF;
	v15 =	vsub.f32 v31, v51;
	v13 =	vmul.f32 $2.550000000e+02, v53;
	v59 =	vld.idx.msk [tilespmem:v32+s3+$0x0], $0xffff  }
0xa3: {  	v60 =	vadd.s32 $0x1, v33;
	v30 =	vld.idx.msk [tilespmem:v30+s3+$0x0], $0xffff;
	v36 =	vadd.s32 v33, v62;
	v32 =	vnsel vm5, $0xFF, v63  }
0xa4: {  	v52 =	vmul.f32 $2.550000000e+02, v44;
	v58 =	vcvt.s32.f32 v33;
	v38 =	vshll.u32 v32, $0x8  }
0xa5: {  	v14 =	vsub.f32 v61, v57;
	v18 =	vmul.f32 $2.550000000e+02, v55;
	v23 =	vsub.f32 v23, v21  }
0xa6: {  	v40 =	vadd.s32 v33, v38;
	v29 =	vsub.f32 v29, v27;
	v16 =	vsub.f32 v16, v6  }
0xa7: {  	v17 =	vsub.f32 v17, v25;
	v14 =	vmul.f32 v14, v39;
	v35 =	vtrunc.f32 v18  }
0xa8: {  	v41 =	vsub.f32 v30, v59;
	v23 =	vmul.f32 v23, v9;
	v37 =	vmul.f32 v29, v11  }
0xa9: {  	vm4 =	vlt.s32 v60, $0xFF;
	v24 =	vcvt.f32.s32 v35;
	v9 =	vmul.f32 v16, v9  }
0xaa: {  	v8 =	vsub.f32 v8, v58;
	v30 =	vld.idx.msk [tilespmem:v36+s3+$0x0], $0xffff;
	v11 =	vmul.f32 v17, v11;
	v17 =	vmul.f32 v41, v39  }
0xab: {  	v36 =	vld [tilespmem:s1+$0xFFFFFF30];
	v14 =	vadd.f32 v14, v57;
	v57 =	vtrunc.f32 v52;
	v21 =	vadd.f32 v23, v21  }
0xac: {  	v46 =	vld.idx.msk [tilespmem:v40+s3+$0x0], $0xffff;
	v23 =	vnsel vm4, $0xFF, v60;
	v40 =	vadd.s32 $0x1, v24;
	v41 =	vshll.u32 v24, $0x8  }
0xad: {  	v42 =	vld [tilespmem:s1+$0xFFFFFF10];
	v24 =	vcvt.s32.f32 v24;
	v28 =	vadd.s32 v62, v23;
	v6 =	vadd.f32 v9, v6  }
0xae: {  	v23 =	vadd.s32 v23, v38;
	v9 =	vadd.f32 v37, v27;
	v11 =	vadd.f32 v11, v25  }
0xaf: {  	v16 =	vadd.f32 v17, v59;
	v62 =	vtrunc.f32 v13;
	vm9 =	vlt.s32 v40, $0xFF  }
0xb0: {  	v59 =	vcvt.f32.s32 v57;
	v22 =	vcvt.f32.s32 v62;
	v29 =	vnsel vm9, $0xFF, v40  }
0xb1: {  	v26 =	vmul.f32 $2.550000000e+02, v36;
	v18 =	vsub.f32 v18, v24;
	v6 =	vsub.f32 v6, v21  }
0xb2: {  	v11 =	vsub.f32 v11, v9;
	v50 =	vsub.f32 v16, v14;
	v16 =	vmul.f32 $2.550000000e+02, v42  }
0xb3: {  	v20 =	vadd.s32 $0x1, v59;
	v44 =	vshll.u32 v29, $0x8;
	v45 =	vcvt.s32.f32 v59  }
0xb4: {  	v39 =	vld [tilespmem:s0+$0xFFFFFF30];
	v17 =	vsub.f32 v46, v30;
	vm7 =	vlt.s32 v20, $0xFF;
	v38 =	vadd.s32 $0x1, v22  }
0xb5: {  	v53 =	vld [tilespmem:s1+$0xFFFFFF40];
	v42 =	vadd.s32 v22, v41;
	v46 =	vtrunc.f32 v26;
	v6 =	vmul.f32 v6, v10  }
0xb6: {  	v29 =	vadd.s32 v22, v44;
	v7 =	vmul.f32 v11, v43;
	v11 =	vmul.f32 v50, v49;
	v25 =	vld.idx.msk [tilespmem:v28+s3+$0x0], $0xffff  }
0xb7: {  	v54 =	vtrunc.f32 v16;
	v20 =	vnsel vm7, $0xFF, v20;
	vm8 =	vlt.s32 v38, $0xFF;
	v48 =	vld.idx.msk [tilespmem:v23+s3+$0x0], $0xffff  }
0xb8: {  	v12 =	vsub.f32 v52, v45;
	v56 =	vcvt.f32.s32 v54;
	v17 =	vmul.f32 v17, v15  }
0xb9: {  	v28 =	vmul.f32 $2.550000000e+02, v39;
	v4 =	vadd.f32 v6, v21;
	v6 =	vadd.f32 v7, v9  }
0xba: {  	v7 =	vadd.f32 v11, v14;
	v60 =	vadd.s32 $0x1, v56;
	v61 =	vshll.u32 v56, $0x8  }
0xbb: {  	v17 =	vadd.f32 v17, v30;
	v19 =	vcvt.s32.f32 v56;
	v30 =	vmul.f32 $2.550000000e+02, v53  }
0xbc: {  	v57 =	vld [tilespmem:s0+$0xFFFFFF40];
	v49 =	vtrunc.f32 v28;
	vm6 =	vlt.s32 v60, $0xFF;
	v10 =	vsub.f32 v48, v25  }
0xbd: {  	v63 =	vadd.s32 v59, v61;
	v21 =	vadd.s32 v61, v20;
	v47 =	vld.idx.msk [tilespmem:v42+s3+$0x0], $0xffff;
	v61 =	vtrunc.f32 v30  }
0xbe: {  	v29 =	vld.idx.msk [tilespmem:v29+s3+$0x0], $0xffff;
	v48 =	vcvt.f32.s32 v46;
	v10 =	vmul.f32 v10, v15;
	v15 =	vnsel vm6, $0xFF, v60  }
0xbf: {  	v16 =	vsub.f32 v16, v19;
	v24 =	vcvt.f32.s32 v61;
	v15 =	vshll.u32 v15, $0x8  }
0xc0: {  	v52 =	vadd.s32 $0x1, v48;
	v55 =	vshll.u32 v48, $0x8;
	v37 =	vadd.s32 v59, v15  }
0xc1: {  	v39 =	vadd.s32 $0x1, v24;
	vm10 =	vlt.s32 v52, $0xFF;
	v15 =	vadd.s32 v20, v15  }
0xc2: {  	v23 =	vld.idx.msk [tilespmem:v63+s3+$0x0], $0xffff;
	v20 =	vnsel vm8, $0xFF, v38;
	v10 =	vadd.f32 v10, v25;
	v25 =	vcvt.f32.s32 v49  }
0xc3: {  	v21 =	vld.idx.msk [tilespmem:v21+s3+$0x0], $0xffff;
	v60 =	vsub.f32 v29, v47;
	v29 =	vmul.f32 $2.550000000e+02, v57;
	v43 =	vadd.s32 v41, v20  }
0xc4: {  	v57 =	vld [tilespmem:s1+$0xFFFFFF60];
	v19 =	vnsel vm10, $0xFF, v52;
	v20 =	vadd.s32 v20, v44;
	v54 =	vadd.s32 $0x1, v25  }
0xc5: {  	v19 =	vshll.u32 v19, $0x8;
	v56 =	vadd.s32 v25, v55;
	vm11 =	vlt.s32 v54, $0xFF;
	v27 =	vld.idx.msk [tilespmem:v37+s3+$0x0], $0xffff  }
0xc6: {  	v42 =	vshll.u32 v24, $0x8;
	v58 =	vadd.s32 v25, v19;
	v31 =	vnsel vm11, $0xFF, v54;
	v15 =	vld.idx.msk [tilespmem:v15+s3+$0x0], $0xffff  }
0xc7: {  	v14 =	vcvt.s32.f32 v48;
	v59 =	vadd.s32 v31, v19;
	v19 =	vmul.f32 v60, v18;
	v60 =	vld [tilespmem:s0+$0xFFFFFF60]  }
0xc8: {  	v63 =	vcvt.s32.f32 v22;
	vm12 =	vlt.s32 v39, $0xFF;
	v38 =	vtrunc.f32 v29;
	v51 =	vld.idx.msk [tilespmem:v43+s3+$0x0], $0xffff  }
0xc9: {  	v14 =	vsub.f32 v26, v14;
	v50 =	vsub.f32 v10, v17;
	v40 =	vcvt.f32.s32 v38;
	v20 =	vld.idx.msk [tilespmem:v20+s3+$0x0], $0xffff  }
0xca: {  	v41 =	vnsel vm12, $0xFF, v39;
	v49 =	vcvt.s32.f32 v25;
	v32 =	vadd.s32 v55, v31;
	v62 =	vld.idx.msk [tilespmem:v56+s3+$0x0], $0xffff  }
0xcb: {  	v13 =	vsub.f32 v13, v63;
	v8 =	vmul.f32 v50, v8;
	v43 =	vadd.s32 v40, v42;
	v37 =	vld.idx.msk [tilespmem:v58+s3+$0x0], $0xffff  }
0xcc: {  	v53 =	vsub.f32 v28, v49;
	v63 =	vcvt.s32.f32 v40;
	v11 =	vadd.f32 v19, v47;
	v47 =	vld [tilespmem:s1+$0xFFFFFF50]  }
0xcd: {  	v22 =	vmul.f32 $2.550000000e+02, v57;
	v55 =	vadd.s32 $0x1, v40;
	v27 =	vsub.f32 v27, v23  }
0xce: {  	vm13 =	vlt.s32 v55, $0xFF;
	v15 =	vsub.f32 v15, v21;
	v25 =	vmul.f32 $2.550000000e+02, v60  }
0xcf: {  	v56 =	vcvt.s32.f32 v24;
	v36 =	vld.idx.msk [tilespmem:v32+s3+$0x0], $0xffff;
	v20 =	vsub.f32 v20, v51;
	v27 =	vmul.f32 v27, v16  }
0xd0: {  	v52 =	vld.idx.msk [tilespmem:v43+s3+$0x0], $0xffff;
	v15 =	vmul.f32 v15, v16;
	v46 =	vsub.f32 v37, v62;
	v43 =	vtrunc.f32 v25  }
0xd1: {  	v16 =	vld.idx.msk [tilespmem:v59+s3+$0x0], $0xffff;
	v18 =	vmul.f32 v20, v18;
	v20 =	vmul.f32 $2.550000000e+02, v47;
	v23 =	vadd.f32 v27, v23  }
0xd2: {  	v50 =	vld [tilespmem:s0+$0xFFFFFF50];
	v28 =	vcvt.f32.s32 v43;
	v15 =	vadd.f32 v15, v21;
	v21 =	vsub.f32 v30, v56  }
0xd3: {  	v10 =	vadd.f32 v18, v51;
	v18 =	vshll.u32 v41, $0x8;
	v51 =	vmul.f32 v46, v14  }
0xd4: {  	v59 =	vtrunc.f32 v20;
	v41 =	vtrunc.f32 v22;
	v49 =	vadd.s32 $0x1, v28  }
0xd5: {  	v15 =	vsub.f32 v15, v23;
	v44 =	vadd.s32 v40, v18;
	v24 =	vcvt.f32.s32 v59  }
0xd6: {  	vm5 =	vlt.s32 v49, $0xFF;
	v45 =	vsub.f32 v10, v11;
	v16 =	vsub.f32 v16, v36  }
0xd7: {  	v10 =	vadd.f32 v8, v17;
	v17 =	vmul.f32 $2.550000000e+02, v50;
	v12 =	vmul.f32 v15, v12  }
0xd8: {  	v39 =	vadd.s32 $0x1, v24;
	v48 =	vmul.f32 v45, v13;
	v14 =	vmul.f32 v16, v14  }
0xd9: {  	v16 =	vnsel vm13, $0xFF, v55;
	v61 =	vtrunc.f32 v17;
	v55 =	vsub.f32 v29, v63  }
0xda: {  	vm14 =	vlt.s32 v39, $0xFF;
	v9 =	vadd.f32 v12, v23;
	v12 =	vadd.f32 v51, v62  }
0xdb: {  	v38 =	vld [tilespmem:s0+$0x0];
	v58 =	vadd.s32 v42, v16;
	v62 =	vadd.s32 v16, v18;
	v16 =	vcvt.f32.s32 v61  }
0xdc: {  	v45 =	vld [tilespmem:s1+$0xFFFFFF70];
	v19 =	vnsel vm14, $0xFF, v39;
	v42 =	vshll.u32 v24, $0x8;
	v24 =	vcvt.s32.f32 v24  }
0xdd: {  	v8 =	vadd.f32 v48, v11;
	v54 =	vld.idx.msk [tilespmem:v44+s3+$0x0], $0xffff;
	v14 =	vadd.f32 v14, v36;
	v19 =	vshll.u32 v19, $0x8  }
0xde: {  	v48 =	vld [tilespmem:s0+$0xFFFFFF70];
	v36 =	vnsel vm5, $0xFF, v49;
	v26 =	vadd.s32 $0x1, v16;
	v44 =	vadd.s32 v16, v42  }
0xdf: {  	v46 =	vadd.s32 v16, v19;
	v14 =	vsub.f32 v14, v12;
	vm15 =	vlt.s32 v26, $0xFF  }
0xe0: {  	v20 =	vsub.f32 v20, v24;
	v40 =	vnsel vm15, $0xFF, v26;
	v26 =	vcvt.f32.s32 v41  }
0xe1: {  	v63 =	vld [tilespmem:s1+$0x0];
	v31 =	vmul.f32 $2.550000000e+02, v45;
	v11 =	vmul.f32 v14, v53;
	v27 =	vadd.s32 v42, v40  }
0xe2: {  	v19 =	vadd.s32 v40, v19;
	v40 =	vcvt.s32.f32 v16;
	v16 =	vmul.f32 $2.550000000e+02, v38  }
0xe3: {  	v23 =	vld.idx.msk [tilespmem:v58+s3+$0x0], $0xffff;
	v13 =	vsub.f32 v54, v52;
	v47 =	vadd.s32 $0x1, v26;
	v15 =	vmul.f32 $2.550000000e+02, v48  }
0xe4: {  	v14 =	vld.idx.msk [tilespmem:v62+s3+$0x0], $0xffff;
	v50 =	vshll.u32 v26, $0x8;
	v53 =	vtrunc.f32 v31;
	v26 =	vcvt.s32.f32 v26  }
0xe5: {  	vm4 =	vlt.s32 v47, $0xFF;
	v37 =	vadd.s32 v28, v50;
	v30 =	vld.idx.msk [tilespmem:v44+s3+$0x0], $0xffff;
	v35 =	vadd.s32 v50, v36  }
0xe6: {  	v51 =	vld.idx.msk [tilespmem:v46+s3+$0x0], $0xffff;
	v11 =	vadd.f32 v11, v12;
	v50 =	vmul.f32 $2.550000000e+02, v63;
	v17 =	vsub.f32 v17, v40  }
0xe7: {  	v40 =	vld [tilespmem:s1+$0x20];
	v13 =	vmul.f32 v13, v21;
	v33 =	vnsel vm4, $0xFF, v47;
	v54 =	vtrunc.f32 v15  }
0xe8: {  	v47 =	vcvt.s32.f32 v28;
	v33 =	vshll.u32 v33, $0x8;
	v29 =	vcvt.f32.s32 v54;
	v27 =	vld.idx.msk [tilespmem:v27+s3+$0x0], $0xffff  }
0xe9: {  	v13 =	vadd.f32 v13, v52;
	v14 =	vsub.f32 v14, v23;
	v52 =	vadd.s32 v28, v33;
	v19 =	vld.idx.msk [tilespmem:v19+s3+$0x0], $0xffff  }
0xea: {  	v45 =	vsub.f32 v22, v26;
	v54 =	vtrunc.f32 v16;
	v33 =	vadd.s32 v36, v33  }
0xeb: {  	v22 =	vsub.f32 v25, v47;
	v59 =	vadd.s32 $0x1, v29;
	v14 =	vmul.f32 v14, v21  }
0xec: {  	v57 =	vld.idx.msk [tilespmem:v35+s3+$0x0], $0xffff;
	v21 =	vsub.f32 v51, v30;
	vm7 =	vlt.s32 v59, $0xFF;
	v35 =	vmul.f32 $2.550000000e+02, v40  }
0xed: {  	v56 =	vld.idx.msk [tilespmem:v37+s3+$0x0], $0xffff;
	v61 =	vnsel vm7, $0xFF, v59;
	v14 =	vadd.f32 v14, v23;
	v23 =	vcvt.f32.s32 v53  }
0xee: {  	v21 =	vmul.f32 v21, v20;
	v53 =	vtrunc.f32 v50;
	v32 =	vld.idx.msk [tilespmem:v52+s3+$0x0], $0xffff;
	v19 =	vsub.f32 v19, v27  }
0xef: {  	v33 =	vld.idx.msk [tilespmem:v33+s3+$0x0], $0xffff;
	v14 =	vsub.f32 v14, v13;
	v58 =	vadd.s32 $0x1, v23;
	v60 =	vshll.u32 v23, $0x8  }
0xf0: {  	v21 =	vadd.f32 v21, v30;
	v23 =	vcvt.s32.f32 v23;
	vm6 =	vlt.s32 v58, $0xFF  }
0xf1: {  	v62 =	vadd.s32 v29, v60;
	v44 =	vmul.f32 v19, v20;
	v34 =	vnsel vm6, $0xFF, v58  }
0xf2: {  	v36 =	vadd.s32 v60, v61;
	v12 =	vmul.f32 v14, v55;
	v34 =	vshll.u32 v34, $0x8  }
0xf3: {  	v59 =	vld [tilespmem:s0+$0x10];
	v23 =	vsub.f32 v31, v23;
	v27 =	vadd.f32 v44, v27;
	v39 =	vadd.s32 v29, v34  }
0xf4: {  	v14 =	vadd.s32 v61, v34;
	v46 =	vsub.f32 v32, v56;
	v48 =	vsub.f32 v33, v57  }
0xf5: {  	v33 =	vcvt.f32.s32 v53;
	v13 =	vadd.f32 v12, v13;
	v61 =	vcvt.s32.f32 v29  }
0xf6: {  	v27 =	vsub.f32 v27, v21;
	v20 =	vmul.f32 v46, v45;
	v19 =	vmul.f32 v48, v45  }
0xf7: {  	v49 =	vld.idx.msk [tilespmem:v62+s3+$0x0], $0xffff;
	v55 =	vadd.s32 $0x1, v33;
	v41 =	vcvt.s32.f32 v33;
	v15 =	vsub.f32 v15, v61  }
0xf8: {  	v51 =	vld.idx.msk [tilespmem:v36+s3+$0x0], $0xffff;
	vm8 =	vlt.s32 v55, $0xFF;
	v17 =	vmul.f32 v27, v17;
	v27 =	vmul.f32 $2.550000000e+02, v59  }
0xf9: {  	v18 =	vadd.f32 v20, v56;
	v19 =	vadd.f32 v19, v57;
	v20 =	vcvt.f32.s32 v54;
	v52 =	vld.idx.msk [tilespmem:v39+s3+$0x0], $0xffff  }
0xfa: {  	v56 =	vshll.u32 v33, $0x8;
	v24 =	vnsel vm8, $0xFF, v55;
	v28 =	vsub.f32 v50, v41;
	v14 =	vld.idx.msk [tilespmem:v14+s3+$0x0], $0xffff  }
0xfb: {  	v44 =	vld [tilespmem:s0+$0x20];
	v24 =	vshll.u32 v24, $0x8;
	v12 =	vadd.f32 v17, v21;
	v45 =	vtrunc.f32 v27  }
0xfc: {  	v58 =	vld [tilespmem:s1+$0x10];
	v57 =	vadd.s32 v20, v56;
	v19 =	vsub.f32 v19, v18;
	v42 =	vadd.s32 $0x1, v20  }
0xfd: {  	v54 =	vld [tilespmem:s1+$0x30];
	v60 =	vadd.s32 v20, v24;
	v30 =	vcvt.f32.s32 v45;
	vm9 =	vlt.s32 v42, $0xFF  }
0xfe: {  	v19 =	vmul.f32 v19, v22;
	v29 =	vnsel vm9, $0xFF, v42;
	v26 =	vsub.f32 v52, v49  }
0xff: {  	v48 =	vadd.s32 $0x1, v30;
	v46 =	vadd.s32 v56, v29;
	v14 =	vsub.f32 v14, v51  }
0x100: {  	v24 =	vadd.s32 v29, v24;
	v29 =	vmul.f32 $2.550000000e+02, v44;
	v56 =	vld [tilespmem:s0+$0x30];
	v26 =	vmul.f32 v26, v23  }
0x101: {  	vm11 =	vlt.s32 v48, $0xFF;
	v14 =	vmul.f32 v14, v23;
	v23 =	vmul.f32 $2.550000000e+02, v58  }
0x102: {  	v38 =	vmul.f32 $2.550000000e+02, v54;
	v50 =	vnsel vm11, $0xFF, v48;
	v53 =	vtrunc.f32 v29  }
0x103: {  	v37 =	vcvt.f32.s32 v53;
	v25 =	vadd.f32 v26, v49;
	v43 =	vtrunc.f32 v23  }
0x104: {  	v62 =	vld.idx.msk [tilespmem:v57+s3+$0x0], $0xffff;
	v63 =	vadd.f32 v14, v51;
	v51 =	vtrunc.f32 v35;
	v31 =	vcvt.f32.s32 v43  }
0x105: {  	v22 =	vld.idx.msk [tilespmem:v60+s3+$0x0], $0xffff;
	v57 =	vadd.s32 $0x1, v37;
	v40 =	vmul.f32 $2.550000000e+02, v56;
	v34 =	vcvt.f32.s32 v51  }
0x106: {  	v33 =	vld.idx.msk [tilespmem:v46+s3+$0x0], $0xffff;
	v46 =	vtrunc.f32 v38;
	v47 =	vadd.s32 $0x1, v31;
	v52 =	vshll.u32 v31, $0x8  }
0x107: {  	v42 =	vadd.s32 $0x1, v34;
	vm10 =	vlt.s32 v47, $0xFF;
	v55 =	vadd.s32 v30, v52  }
0x108: {  	v43 =	vshll.u32 v34, $0x8;
	v36 =	vadd.s32 v52, v50;
	v49 =	vnsel vm10, $0xFF, v47  }
0x109: {  	vm12 =	vlt.s32 v42, $0xFF;
	v44 =	vadd.s32 v37, v43;
	v14 =	vshll.u32 v49, $0x8  }
0x10a: {  	v22 =	vsub.f32 v22, v62;
	v42 =	vnsel vm12, $0xFF, v42;
	v41 =	vadd.s32 v30, v14  }
0x10b: {  	v24 =	vld.idx.msk [tilespmem:v24+s3+$0x0], $0xffff;
	vm13 =	vlt.s32 v57, $0xFF;
	v42 =	vshll.u32 v42, $0x8;
	v32 =	vadd.s32 v50, v14  }
0x10c: {  	v22 =	vmul.f32 v22, v28;
	v14 =	vnsel vm13, $0xFF, v57;
	v45 =	vadd.s32 v37, v42;
	v39 =	vld.idx.msk [tilespmem:v55+s3+$0x0], $0xffff  }
0x10d: {  	v20 =	vcvt.s32.f32 v20;
	v46 =	vcvt.f32.s32 v46;
	v43 =	vadd.s32 v43, v14;
	v36 =	vld.idx.msk [tilespmem:v36+s3+$0x0], $0xffff  }
0x10e: {  	v47 =	vtrunc.f32 v40;
	v21 =	vadd.f32 v22, v62;
	v42 =	vadd.s32 v14, v42;
	v22 =	vld.idx.msk [tilespmem:v44+s3+$0x0], $0xffff  }
0x10f: {  	v59 =	vadd.s32 $0x1, v46;
	v14 =	vadd.f32 v19, v18;
	v18 =	vcvt.f32.s32 v47;
	v41 =	vld.idx.msk [tilespmem:v41+s3+$0x0], $0xffff  }
0x110: {  	v16 =	vsub.f32 v16, v20;
	vm14 =	vlt.s32 v59, $0xFF;
	v24 =	vsub.f32 v24, v33;
	v58 =	vld.idx.msk [tilespmem:v32+s3+$0x0], $0xffff  }
0x111: {  	v31 =	vcvt.s32.f32 v31;
	v26 =	vnsel vm14, $0xFF, v59;
	v60 =	vadd.s32 $0x1, v18;
	v61 =	vld.idx.msk [tilespmem:v45+s3+$0x0], $0xffff  }
0x112: {  	v62 =	vshll.u32 v46, $0x8;
	v24 =	vmul.f32 v24, v28;
	vm15 =	vlt.s32 v60, $0xFF;
	v32 =	vld.idx.msk [tilespmem:v43+s3+$0x0], $0xffff  }
0x113: {  	v26 =	vshll.u32 v26, $0x8;
	v19 =	vsub.f32 v63, v25;
	v48 =	vnsel vm15, $0xFF, v60;
	v63 =	vld.idx.msk [tilespmem:v42+s3+$0x0], $0xffff  }
0x114: {  	v24 =	vadd.f32 v24, v33;
	v49 =	vadd.s32 v18, v62;
	v45 =	vadd.s32 v62, v48;
	v62 =	vld [tilespmem:s0+$0x40]  }
0x115: {  	v23 =	vsub.f32 v23, v31;
	v50 =	vcvt.s32.f32 v34;
	v51 =	vadd.s32 v18, v26;
	v43 =	vld [tilespmem:s0+$0x50]  }
0x116: {  	v59 =	vcvt.s32.f32 v37;
	v24 =	vsub.f32 v24, v21;
	v26 =	vadd.s32 v48, v26;
	v48 =	vld [tilespmem:s1+$0x60]  }
0x117: {  	v30 =	vcvt.s32.f32 v30;
	v33 =	vsub.f32 v35, v50;
	v15 =	vmul.f32 v19, v15  }
0x118: {  	v50 =	vld [tilespmem:s0+$0x60];
	v16 =	vmul.f32 v24, v16;
	v52 =	vsub.f32 v41, v39;
	v17 =	vsub.f32 v58, v36  }
0x119: {  	v54 =	vld.idx.msk [tilespmem:v49+s3+$0x0], $0xffff;
	v53 =	vsub.f32 v61, v22;
	v61 =	vcvt.s32.f32 v46;
	v28 =	vsub.f32 v63, v32  }
0x11a: {  	v58 =	vld.idx.msk [tilespmem:v51+s3+$0x0], $0xffff;
	v63 =	vsub.f32 v29, v59;
	v24 =	vmul.f32 $2.550000000e+02, v62;
	v29 =	vmul.f32 $2.550000000e+02, v43  }
0x11b: {  	v27 =	vsub.f32 v27, v30;
	v56 =	vld.idx.msk [tilespmem:v45+s3+$0x0], $0xffff;
	v30 =	vmul.f32 $2.550000000e+02, v48;
	v55 =	vmul.f32 v52, v23  }
0x11c: {  	v26 =	vld.idx.msk [tilespmem:v26+s3+$0x0], $0xffff;
	v17 =	vmul.f32 v17, v23;
	v57 =	vmul.f32 v53, v33  }
0x11d: {  	v34 =	vsub.f32 v38, v61;
	v28 =	vmul.f32 v28, v33;
	v45 =	vtrunc.f32 v24  }
0x11e: {  	v60 =	vld [tilespmem:s1+$0x40];
	v51 =	vtrunc.f32 v29;
	v20 =	vadd.f32 v55, v39;
	v17 =	vadd.f32 v17, v36  }
0x11f: {  	v38 =	vld [tilespmem:s1+$0x50];
	v33 =	vmul.f32 $2.550000000e+02, v50;
	v22 =	vadd.f32 v57, v22;
	v28 =	vadd.f32 v28, v32  }
0x120: {  	v39 =	vcvt.s32.f32 v18;
	v35 =	vsub.f32 v58, v54;
	v17 =	vsub.f32 v17, v20  }
0x121: {  	v58 =	vtrunc.f32 v30;
	v61 =	vtrunc.f32 v33;
	v26 =	vsub.f32 v26, v56  }
0x122: {  	v15 =	vadd.f32 v15, v25;
	v36 =	vmul.f32 v35, v34;
	v17 =	vmul.f32 v17, v27  }
0x123: {  	v28 =	vsub.f32 v28, v22;
	v27 =	vmul.f32 $2.550000000e+02, v60;
	v37 =	vmul.f32 v26, v34  }
0x124: {  	v16 =	vadd.f32 v16, v21;
	v26 =	vmul.f32 $2.550000000e+02, v38;
	v34 =	vcvt.f32.s32 v51  }
0x125: {  	v59 =	vld [tilespmem:s0+$0x70];
	v38 =	vcvt.f32.s32 v58;
	v19 =	vmul.f32 v28, v63;
	v25 =	vadd.f32 v36, v54  }
0x126: {  	v42 =	vtrunc.f32 v27;
	v21 =	vadd.f32 v37, v56;
	v18 =	vadd.f32 v17, v20  }
0x127: {  	v20 =	vcvt.f32.s32 v45;
	v49 =	vtrunc.f32 v26;
	v55 =	vadd.s32 $0x1, v34  }
0x128: {  	v58 =	vshll.u32 v38, $0x8;
	v44 =	vcvt.f32.s32 v42;
	v17 =	vadd.f32 v19, v22  }
0x129: {  	v19 =	vsub.f32 v40, v39;
	v32 =	vcvt.f32.s32 v49;
	vm7 =	vlt.s32 v55, $0xFF  }
0x12a: {  	v42 =	vcvt.f32.s32 v61;
	v40 =	vmul.f32 $2.550000000e+02, v59;
	v21 =	vsub.f32 v21, v25  }
0x12b: {  	v47 =	vadd.s32 $0x1, v20;
	v57 =	vnsel vm7, $0xFF, v55;
	v46 =	vadd.s32 $0x1, v44  }
0x12c: {  	v56 =	vld [tilespmem:s1+$0x70];
	vm5 =	vlt.s32 v47, $0xFF;
	v31 =	vcvt.s32.f32 v44;
	v23 =	vshll.u32 v44, $0x8  }
0x12d: {  	v54 =	vadd.s32 $0x1, v32;
	v60 =	vshll.u32 v32, $0x8;
	v49 =	vadd.s32 v42, v58  }
0x12e: {  	v55 =	vadd.s32 $0x1, v42;
	v48 =	vtrunc.f32 v40;
	v52 =	vadd.s32 v20, v23  }
0x12f: {  	vm4 =	vlt.s32 v46, $0xFF;
	v28 =	vnsel vm5, $0xFF, v47;
	v62 =	vadd.s32 v34, v60  }
0x130: {  	v41 =	vadd.s32 v60, v57;
	vm9 =	vlt.s32 v55, $0xFF;
	v22 =	vnsel vm4, $0xFF, v46  }
0x131: {  	v23 =	vadd.s32 v23, v28;
	v39 =	vmul.f32 $2.550000000e+02, v56;
	v56 =	vnsel vm9, $0xFF, v55  }
0x132: {  	vm6 =	vlt.s32 v54, $0xFF;
	v22 =	vshll.u32 v22, $0x8;
	v47 =	vadd.s32 v58, v56;
	v49 =	vld.idx.msk [tilespmem:v49+s3+$0x0], $0xffff  }
0x133: {  	v37 =	vnsel vm6, $0xFF, v54;
	v54 =	vadd.s32 $0x1, v38;
	v53 =	vadd.s32 v20, v22;
	v35 =	vld.idx.msk [tilespmem:v52+s3+$0x0], $0xffff  }
0x134: {  	v37 =	vshll.u32 v37, $0x8;
	vm8 =	vlt.s32 v54, $0xFF;
	v22 =	vadd.s32 v28, v22;
	v43 =	vld.idx.msk [tilespmem:v62+s3+$0x0], $0xffff  }
0x135: {  	v32 =	vcvt.s32.f32 v32;
	v63 =	vadd.s32 v34, v37;
	v45 =	vnsel vm8, $0xFF, v54;
	v41 =	vld.idx.msk [tilespmem:v41+s3+$0x0], $0xffff  }
0x136: {  	v28 =	vadd.s32 v57, v37;
	v57 =	vtrunc.f32 v39;
	v45 =	vshll.u32 v45, $0x8;
	v23 =	vld.idx.msk [tilespmem:v23+s3+$0x0], $0xffff  }
0x137: {  	v48 =	vcvt.f32.s32 v48;
	v46 =	vcvt.f32.s32 v57;
	v50 =	vadd.s32 v42, v45;
	v47 =	vld.idx.msk [tilespmem:v47+s3+$0x0], $0xffff  }
0x138: {  	v19 =	vmul.f32 v21, v19;
	v27 =	vsub.f32 v27, v31;
	v37 =	vadd.s32 v56, v45;
	v36 =	vld.idx.msk [tilespmem:v53+s3+$0x0], $0xffff  }
0x139: {  	v26 =	vsub.f32 v26, v32;
	v59 =	vadd.s32 $0x1, v48;
	v51 =	vadd.s32 $0x1, v46;
	v22 =	vld.idx.msk [tilespmem:v22+s3+$0x0], $0xffff  }
0x13a: {  	vm11 =	vlt.s32 v59, $0xFF;
	v52 =	vshll.u32 v46, $0x8;
	vm10 =	vlt.s32 v51, $0xFF;
	v44 =	vld.idx.msk [tilespmem:v63+s3+$0x0], $0xffff  }
0x13b: {  	v60 =	vnsel vm11, $0xFF, v59;
	v61 =	vadd.s32 v48, v52;
	v51 =	vnsel vm10, $0xFF, v51;
	v28 =	vld.idx.msk [tilespmem:v28+s3+$0x0], $0xffff  }
0x13c: {  	v20 =	vcvt.s32.f32 v20;
	v52 =	vadd.s32 v52, v60;
	v51 =	vshll.u32 v51, $0x8;
	v63 =	vld.idx.msk [tilespmem:v50+s3+$0x0], $0xffff  }
0x13d: {  	v19 =	vadd.f32 v19, v25;
	v53 =	vadd.s32 v48, v51;
	v31 =	vadd.s32 v60, v51;
	v51 =	vld.idx.msk [tilespmem:v37+s3+$0x0], $0xffff  }
0x13e: {  	v59 =	vcvt.s32.f32 v38;
	v38 =	vld [tilespmem:s0+$0x100];
	v20 =	vsub.f32 v24, v20;
	v36 =	vsub.f32 v36, v35  }
0x13f: {  	v34 =	vcvt.s32.f32 v34;
	v22 =	vsub.f32 v22, v23;
	v50 =	vsub.f32 v44, v43  }
0x140: {  	v25 =	vsub.f32 v30, v59;
	v55 =	vld.idx.msk [tilespmem:v61+s3+$0x0], $0xffff;
	v54 =	vsub.f32 v28, v41;
	v62 =	vmul.f32 v36, v27  }
0x141: {  	v57 =	vld.idx.msk [tilespmem:v52+s3+$0x0], $0xffff;
	v22 =	vmul.f32 v22, v27;
	v56 =	vmul.f32 v50, v26;
	v61 =	vsub.f32 v63, v49  }
0x142: {  	v58 =	vmul.f32 v54, v26;
	v60 =	vld.idx.msk [tilespmem:v53+s3+$0x0], $0xffff;
	v32 =	vsub.f32 v51, v47;
	v21 =	vadd.f32 v62, v35  }
0x143: {  	v36 =	vld [tilespmem:s1+$0x100];
	v27 =	vmul.f32 $2.550000000e+02, v38;
	v22 =	vadd.f32 v22, v23;
	v23 =	vadd.f32 v56, v43  }
0x144: {  	v31 =	vld.idx.msk [tilespmem:v31+s3+$0x0], $0xffff;
	v24 =	vadd.f32 v58, v41;
	v62 =	vcvt.s32.f32 v46;
	v30 =	vmul.f32 v61, v25  }
0x145: {  	v63 =	vsub.f32 v29, v34;
	v25 =	vmul.f32 v32, v25;
	v43 =	vcvt.s32.f32 v48  }
0x146: {  	v34 =	vtrunc.f32 v27;
	v22 =	vsub.f32 v22, v21;
	v24 =	vsub.f32 v24, v23  }
0x147: {  	v37 =	vsub.f32 v39, v62;
	v39 =	vcvt.s32.f32 v42;
	v30 =	vadd.f32 v30, v49  }
0x148: {  	v41 =	vadd.f32 v25, v47;
	v26 =	vsub.f32 v60, v55;
	v29 =	vmul.f32 $2.550000000e+02, v36  }
0x149: {  	v49 =	vld [tilespmem:s0+$0x110];
	v31 =	vsub.f32 v31, v57;
	v20 =	vmul.f32 v22, v20;
	v24 =	vmul.f32 v24, v63  }
0x14a: {  	v53 =	vld [tilespmem:s1+$0x120];
	v42 =	vsub.f32 v33, v39;
	v22 =	vsub.f32 v41, v30;
	v26 =	vmul.f32 v26, v37  }
0x14b: {  	v47 =	vld [tilespmem:s1+$0x110];
	v31 =	vmul.f32 v31, v37;
	v46 =	vtrunc.f32 v29  }
0x14c: {  	v45 =	vsub.f32 v40, v43;
	v25 =	vmul.f32 v22, v42;
	v48 =	vcvt.f32.s32 v46  }
0x14d: {  	v22 =	vadd.f32 v20, v21;
	v21 =	vadd.f32 v24, v23;
	v23 =	vcvt.f32.s32 v34  }
0x14e: {  	v63 =	vld [tilespmem:s1+$0x130];
	v33 =	vadd.f32 v26, v55;
	v44 =	vadd.f32 v31, v57;
	v34 =	vmul.f32 $2.550000000e+02, v49  }
0x14f: {  	v31 =	vmul.f32 $2.550000000e+02, v53;
	v20 =	vadd.f32 v25, v30;
	v50 =	vadd.s32 $0x1, v48  }
0x150: {  	v51 =	vcvt.s32.f32 v48;
	v52 =	vadd.s32 $0x1, v23;
	v30 =	vmul.f32 $2.550000000e+02, v47  }
0x151: {  	v32 =	vshll.u32 v48, $0x8;
	v26 =	vsub.f32 v44, v33;
	vm12 =	vlt.s32 v50, $0xFF  }
0x152: {  	vm13 =	vlt.s32 v52, $0xFF;
	v57 =	vadd.s32 v23, v32;
	v58 =	vtrunc.f32 v34  }
0x153: {  	v55 =	vld [tilespmem:s0+$0x120];
	v62 =	vtrunc.f32 v31;
	v41 =	vmul.f32 $2.550000000e+02, v63;
	v24 =	vnsel vm12, $0xFF, v50  }
0x154: {  	v29 =	vsub.f32 v29, v51;
	v56 =	vtrunc.f32 v30;
	v37 =	vcvt.f32.s32 v58  }
0x155: {  	v54 =	vnsel vm13, $0xFF, v52;
	v28 =	vcvt.f32.s32 v62;
	v25 =	vmul.f32 v26, v45  }
0x156: {  	v24 =	vshll.u32 v24, $0x8;
	v35 =	vcvt.f32.s32 v56;
	v32 =	vadd.s32 v32, v54  }
0x157: {  	v59 =	vadd.s32 v23, v24;
	v24 =	vadd.s32 v54, v24;
	v61 =	vadd.s32 $0x1, v37  }
0x158: {  	v40 =	vmul.f32 $2.550000000e+02, v55;
	v56 =	vadd.s32 $0x1, v28;
	v55 =	vtrunc.f32 v41  }
0x159: {  	v62 =	vshll.u32 v28, $0x8;
	v23 =	vcvt.s32.f32 v23;
	v28 =	vcvt.s32.f32 v28  }
0x15a: {  	v60 =	vadd.s32 $0x1, v35;
	vm15 =	vlt.s32 v61, $0xFF;
	v53 =	vshll.u32 v35, $0x8  }
0x15b: {  	vm14 =	vlt.s32 v60, $0xFF;
	v39 =	vnsel vm15, $0xFF, v61;
	v52 =	vtrunc.f32 v40;
	v36 =	vld.idx.msk [tilespmem:v57+s3+$0x0], $0xffff  }
0x15c: {  	v54 =	vadd.s32 v37, v53;
	v57 =	vld [tilespmem:s0+$0x130];
	v26 =	vnsel vm14, $0xFF, v60;
	v42 =	vcvt.f32.s32 v52  }
0x15d: {  	vm4 =	vlt.s32 v56, $0xFF;
	v43 =	vadd.s32 v53, v39;
	v26 =	vshll.u32 v26, $0x8;
	v32 =	vld.idx.msk [tilespmem:v32+s3+$0x0], $0xffff  }
0x15e: {  	v46 =	vcvt.f32.s32 v55;
	v38 =	vld.idx.msk [tilespmem:v59+s3+$0x0], $0xffff;
	v58 =	vadd.s32 v37, v26;
	v59 =	vadd.s32 $0x1, v42  }
0x15f: {  	v45 =	vnsel vm4, $0xFF, v56;
	v60 =	vld.idx.msk [tilespmem:v24+s3+$0x0], $0xffff;
	v26 =	vadd.s32 v39, v26;
	vm5 =	vlt.s32 v59, $0xFF  }
0x160: {  	v45 =	vshll.u32 v45, $0x8;
	v63 =	vadd.s32 v42, v62;
	v61 =	vnsel vm5, $0xFF, v59  }
0x161: {  	v44 =	vld.idx.msk [tilespmem:v54+s3+$0x0], $0xffff;
	v24 =	vmul.f32 $2.550000000e+02, v57;
	v57 =	vadd.s32 v42, v45;
	v59 =	vadd.s32 $0x1, v46  }
0x162: {  	v35 =	vcvt.s32.f32 v35;
	v56 =	vadd.s32 v62, v61;
	v43 =	vld.idx.msk [tilespmem:v43+s3+$0x0], $0xffff;
	vm6 =	vlt.s32 v59, $0xFF  }
0x163: {  	v39 =	vadd.s32 v61, v45;
	v61 =	vnsel vm6, $0xFF, v59;
	v47 =	vld.idx.msk [tilespmem:v58+s3+$0x0], $0xffff;
	v58 =	vtrunc.f32 v24  }
0x164: {  	v38 =	vsub.f32 v38, v36;
	v49 =	vsub.f32 v60, v32;
	v60 =	vld.idx.msk [tilespmem:v26+s3+$0x0], $0xffff;
	v26 =	vcvt.f32.s32 v58  }
0x165: {  	v23 =	vsub.f32 v27, v23;
	v62 =	vshll.u32 v46, $0x8;
	v45 =	vld.idx.msk [tilespmem:v63+s3+$0x0], $0xffff;
	v48 =	vshll.u32 v61, $0x8  }
0x166: {  	v38 =	vmul.f32 v38, v29;
	v29 =	vmul.f32 v49, v29;
	v50 =	vld.idx.msk [tilespmem:v57+s3+$0x0], $0xffff;
	v63 =	vadd.s32 v26, v62  }
0x167: {  	v30 =	vsub.f32 v30, v35;
	v49 =	vld.idx.msk [tilespmem:v56+s3+$0x0], $0xffff;
	v54 =	vadd.s32 $0x1, v26;
	v55 =	vadd.s32 v26, v48  }
0x168: {  	v57 =	vld.idx.msk [tilespmem:v39+s3+$0x0], $0xffff;
	v36 =	vadd.f32 v38, v36;
	v29 =	vadd.f32 v29, v32;
	vm7 =	vlt.s32 v54, $0xFF  }
0x169: {  	v58 =	vsub.f32 v47, v44;
	v59 =	vnsel vm7, $0xFF, v54;
	v60 =	vsub.f32 v60, v43  }
0x16a: {  	v31 =	vsub.f32 v31, v28;
	v37 =	vcvt.s32.f32 v37;
	v54 =	vld [tilespmem:s1+$0x140];
	v61 =	vadd.s32 v62, v59  }
0x16b: {  	v62 =	vsub.f32 v29, v36;
	v35 =	vmul.f32 v58, v30;
	v30 =	vmul.f32 v60, v30;
	v51 =	vld.idx.msk [tilespmem:v63+s3+$0x0], $0xffff  }
0x16c: {  	v53 =	vsub.f32 v50, v45;
	v58 =	vsub.f32 v34, v37;
	v63 =	vadd.s32 v59, v48;
	v52 =	vld.idx.msk [tilespmem:v55+s3+$0x0], $0xffff  }
0x16d: {  	v27 =	vmul.f32 v62, v23;
	v32 =	vsub.f32 v57, v49;
	v55 =	vld [tilespmem:s0+$0x140];
	v59 =	vcvt.s32.f32 v46  }
0x16e: {  	v46 =	vld [tilespmem:s1+$0x150];
	v28 =	vadd.f32 v35, v44;
	v30 =	vadd.f32 v30, v43;
	v56 =	vmul.f32 v53, v31  }
0x16f: {  	v23 =	vadd.f32 v25, v33;
	v43 =	vld [tilespmem:s1+$0x170];
	v31 =	vmul.f32 v32, v31;
	v38 =	vmul.f32 $2.550000000e+02, v54  }
0x170: {  	v25 =	vadd.f32 v27, v36;
	v57 =	vld.idx.msk [tilespmem:v61+s3+$0x0], $0xffff;
	v30 =	vsub.f32 v30, v28;
	v61 =	vcvt.s32.f32 v42  }
0x171: {  	v54 =	vld [tilespmem:s1+$0x160];
	v39 =	vadd.f32 v56, v45;
	v62 =	vadd.f32 v31, v49;
	v48 =	vtrunc.f32 v38  }
0x172: {  	v60 =	vld.idx.msk [tilespmem:v63+s3+$0x0], $0xffff;
	v63 =	vsub.f32 v41, v59;
	v44 =	vsub.f32 v52, v51;
	v30 =	vmul.f32 v30, v58  }
0x173: {  	v56 =	vld [tilespmem:s0+$0x160];
	v45 =	vsub.f32 v40, v61;
	v29 =	vmul.f32 $2.550000000e+02, v55;
	v42 =	vcvt.f32.s32 v48  }
0x174: {  	v49 =	vld [tilespmem:s0+$0x150];
	v35 =	vmul.f32 $2.550000000e+02, v46;
	v47 =	vsub.f32 v62, v39;
	v43 =	vmul.f32 $2.550000000e+02, v43  }
0x175: {  	v34 =	vmul.f32 v44, v63;
	v50 =	vtrunc.f32 v29;
	v52 =	vadd.s32 $0x1, v42  }
0x176: {  	v55 =	vtrunc.f32 v35;
	v41 =	vmul.f32 $2.550000000e+02, v54;
	v28 =	vadd.f32 v30, v28  }
0x177: {  	v33 =	vmul.f32 v47, v45;
	v36 =	vcvt.f32.s32 v50;
	vm8 =	vlt.s32 v52, $0xFF  }
0x178: {  	v45 =	vcvt.f32.s32 v55;
	v27 =	vmul.f32 $2.550000000e+02, v56;
	v34 =	vadd.f32 v34, v51  }
0x179: {  	v31 =	vnsel vm8, $0xFF, v52;
	v40 =	vmul.f32 $2.550000000e+02, v49;
	v62 =	vtrunc.f32 v41  }
0x17a: {  	v37 =	vsub.f32 v60, v57;
	v53 =	vadd.s32 $0x1, v36;
	v31 =	vshll.u32 v31, $0x8  }
0x17b: {  	v59 =	vadd.s32 $0x1, v45;
	v49 =	vcvt.f32.s32 v62;
	vm9 =	vlt.s32 v53, $0xFF  }
0x17c: {  	v58 =	vtrunc.f32 v40;
	v48 =	vadd.s32 v36, v31;
	vm10 =	vlt.s32 v59, $0xFF  }
0x17d: {  	v51 =	vmul.f32 v37, v63;
	v37 =	vnsel vm9, $0xFF, v53;
	v47 =	vcvt.f32.s32 v58  }
0x17e: {  	v61 =	vnsel vm10, $0xFF, v59;
	v58 =	vtrunc.f32 v27;
	v55 =	vshll.u32 v49, $0x8  }
0x17f: {  	v31 =	vadd.s32 v37, v31;
	v50 =	vshll.u32 v61, $0x8;
	v53 =	vcvt.f32.s32 v58  }
0x180: {  	v63 =	vld [tilespmem:s0+$0x170];
	v32 =	vadd.f32 v51, v57;
	v57 =	vshll.u32 v42, $0x8;
	v60 =	vadd.s32 $0x1, v47  }
0x181: {  	s17 =	sand.u32 $0x1000, s30;
	s18 =	sand.u32 $0x380, s29;
	v52 =	vadd.s32 v47, v50;
	v46 =	vadd.s32 v36, v57;
	v44 =	vadd.s32 v57, v37  }
0x182: {  	s31 =	sor.u32 s18, s17;
	vm11 =	vlt.s32 v60, $0xFF;
	v57 =	vshll.u32 v45, $0x8;
	v61 =	vadd.s32 $0x1, v53  }
0x183: {  	[tilespmem:s31+$0x18000] =	vst v1;
	v58 =	vadd.s32 v53, v55;
	v37 =	vnsel vm11, $0xFF, v60;
	v59 =	vadd.s32 v47, v57  }
0x184: {  	[tilespmem:s31+$0x18010] =	vst v0;
	v60 =	vadd.s32 $0x1, v49;
	vm13 =	vlt.s32 v61, $0xFF;
	v1 =	vadd.s32 v57, v37  }
0x185: {  	[tilespmem:s31+$0x18040] =	vst v5;
	v5 =	vld.idx.msk [tilespmem:v48+s3+$0x0], $0xffff;
	vm12 =	vlt.s32 v60, $0xFF;
	v51 =	vmul.f32 $2.550000000e+02, v63;
	v37 =	vadd.s32 v37, v50  }
0x186: {  	[tilespmem:s31+$0x18050] =	vst v4;
	v0 =	vnsel vm13, $0xFF, v61;
	v63 =	vtrunc.f32 v43;
	v62 =	vnsel vm12, $0xFF, v60;
	v4 =	vld.idx.msk [tilespmem:v31+s3+$0x0], $0xffff  }
0x187: {  	[tilespmem:s31+$0x18400] =	vst v10;
	v48 =	vadd.s32 v55, v0;
	v56 =	vtrunc.f32 v51;
	v57 =	vshll.u32 v62, $0x8;
	v10 =	vld.idx.msk [tilespmem:v52+s3+$0x0], $0xffff  }
0x188: {  	[tilespmem:s31+$0x18030] =	vst v3;
	v3 =	vld.idx.msk [tilespmem:v44+s3+$0x0], $0xffff;
	v44 =	vcvt.f32.s32 v63;
	v50 =	vcvt.f32.s32 v56;
	v54 =	vadd.s32 v53, v57  }
0x189: {  	[tilespmem:s31+$0x18020] =	vst v2;
	v2 =	vld.idx.msk [tilespmem:v46+s3+$0x0], $0xffff;
	v0 =	vadd.s32 v0, v57;
	v63 =	vcvt.s32.f32 v26;
	v57 =	vcvt.s32.f32 v42  }
0x18a: {  	[tilespmem:s31+$0x18060] =	vst v6;
	v6 =	vld.idx.msk [tilespmem:v59+s3+$0x0], $0xffff;
	v59 =	vadd.s32 $0x1, v44;
	v60 =	vadd.s32 $0x1, v50;
	v62 =	vshll.u32 v44, $0x8  }
0x18b: {  	[tilespmem:s31+$0x18410] =	vst v9;
	v42 =	vld.idx.msk [tilespmem:v58+s3+$0x0], $0xffff;
	v9 =	vsub.f32 v24, v63;
	vm14 =	vlt.s32 v59, $0xFF;
	vm15 =	vlt.s32 v60, $0xFF  }
0x18c: {  	[tilespmem:s31+$0x18070] =	vst v7;
	v1 =	vld.idx.msk [tilespmem:v1+s3+$0x0], $0xffff;
	v56 =	vadd.s32 v50, v62;
	v61 =	vnsel vm14, $0xFF, v59;
	v7 =	vnsel vm15, $0xFF, v60  }
0x18d: {  	[tilespmem:s31+$0x18420] =	vst v8;
	v55 =	vld.idx.msk [tilespmem:v37+s3+$0x0], $0xffff;
	v8 =	vsub.f32 v38, v57;
	v31 =	vshll.u32 v61, $0x8;
	v58 =	vadd.s32 v62, v7  }
0x18e: {  	v63 =	vadd.f32 v33, v39;
	v33 =	vcvt.s32.f32 v36;
	v60 =	vld.idx.msk [tilespmem:v48+s3+$0x0], $0xffff;
	v61 =	vadd.s32 v50, v31  }
0x18f: {  	[tilespmem:s31+$0x18430] =	vst v11;
	v37 =	vcvt.s32.f32 v45;
	v45 =	vcvt.s32.f32 v47;
	v62 =	vld.idx.msk [tilespmem:v54+s3+$0x0], $0xffff;
	v7 =	vadd.s32 v7, v31  }
0x190: {  	[tilespmem:s31+$0x18440] =	vst v13;
	v52 =	vcvt.s32.f32 v44;
	v59 =	vsub.f32 v32, v34;
	v39 =	vsub.f32 v29, v33;
	v0 =	vld.idx.msk [tilespmem:v0+s3+$0x0], $0xffff  }
0x191: {  	[tilespmem:s31+$0x18450] =	vst v12;
	v48 =	vcvt.s32.f32 v49;
	v5 =	vsub.f32 v5, v2;
	v4 =	vsub.f32 v4, v3;
	v36 =	vld.idx.msk [tilespmem:v56+s3+$0x0], $0xffff  }
0x192: {  	v47 =	vsub.f32 v35, v37;
	v9 =	vmul.f32 v59, v9;
	v10 =	vsub.f32 v10, v6;
	v38 =	vld.idx.msk [tilespmem:v58+s3+$0x0], $0xffff  }
0x193: {  	v5 =	vmul.f32 v5, v8;
	v4 =	vmul.f32 v4, v8;
	v8 =	vsub.f32 v41, v48;
	v46 =	vld.idx.msk [tilespmem:v61+s3+$0x0], $0xffff  }
0x194: {  	[tilespmem:s31+$0x18460] =	vst v14;
	v49 =	vsub.f32 v55, v1;
	v55 =	vsub.f32 v43, v52;
	v7 =	vld.idx.msk [tilespmem:v7+s3+$0x0], $0xffff  }
0x195: {  	[tilespmem:s31+$0x18470] =	vst v15;
	v9 =	vadd.f32 v9, v34;
	v10 =	vmul.f32 v10, v47;
	v2 =	vadd.f32 v5, v2  }
0x196: {  	[tilespmem:s31+$0x18800] =	vst v16;
	v3 =	vadd.f32 v4, v3;
	v5 =	vsub.f32 v40, v45;
	v4 =	vmul.f32 v49, v47  }
0x197: {  	[tilespmem:s31+$0x18810] =	vst v18;
	v54 =	vsub.f32 v62, v42;
	v0 =	vsub.f32 v0, v60  }
0x198: {  	[tilespmem:s31+$0x18820] =	vst v17;
	v6 =	vadd.f32 v10, v6;
	v1 =	vadd.f32 v4, v1  }
0x199: {  	[tilespmem:s31+$0x18830] =	vst v19;
	v56 =	vsub.f32 v46, v36;
	v7 =	vsub.f32 v7, v38  }
0x19a: {  	[tilespmem:s31+$0x18840] =	vst v22;
	v3 =	vsub.f32 v3, v2;
	v16 =	vmul.f32 v54, v8;
	v0 =	vmul.f32 v0, v8  }
0x19b: {  	[tilespmem:s31+$0x18850] =	vst v21;
	v1 =	vsub.f32 v1, v6;
	v57 =	vmul.f32 v56, v55;
	v7 =	vmul.f32 v7, v55  }
0x19c: {  	[tilespmem:s31+$0x18860] =	vst v20;
	v59 =	vcvt.s32.f32 v53;
	v58 =	vadd.f32 v16, v42;
	v0 =	vadd.f32 v0, v60  }
0x19d: {  	[tilespmem:s31+$0x18870] =	vst v23;
	v60 =	vcvt.s32.f32 v50;
	v4 =	vadd.f32 v57, v36;
	v7 =	vadd.f32 v7, v38  }
0x19e: {  	[tilespmem:s31+$0x18C00] =	vst v25;
	v10 =	vsub.f32 v27, v59;
	v3 =	vmul.f32 v3, v39;
	v0 =	vsub.f32 v0, v58  }
0x19f: {  	[tilespmem:s31+$0x18C10] =	vst v28;
	v1 =	vmul.f32 v1, v5;
	v61 =	vsub.f32 v51, v60;
	v7 =	vsub.f32 v7, v4  }
0x1a0: {  	p1 =	sne.s32 s30, $0x1E00;
	[tilespmem:s31+$0x18C20] =	vst v63;
	v2 =	vadd.f32 v3, v2;
	v0 =	vmul.f32 v0, v10  }
.Ltmp6:
0x1a1: {  	[tilespmem:s31+$0x18C30] =	vst v9;
	v1 =	vadd.f32 v1, v6;
	v62 =	vmul.f32 v7, v61;
	(pc) =	sbr.rel @p1 .LBB2_11-.Ltmp6, $4  }
0x1a2: {  	[tilespmem:s31+$0x18C40] =	vst v2;
	v0 =	vadd.f32 v0, v58  }
0x1a3: {  	[tilespmem:s31+$0x18C50] =	vst v1;
	v63 =	vadd.f32 v62, v4  }
0x1a4: {  	s29 =	sadd.s32 $0x80, s29;
	[tilespmem:s31+$0x18C60] =	vst v0  }
0x1a5: {  	s30 =	sadd.s32 $0x200, s30;
	s1 =	sadd.s32 $0x400, s1;
	s0 =	sadd.s32 $0x400, s0;
	[tilespmem:s31+$0x18C70] =	vst v63  }
0x1a6: {  	p1 =	seq.s32 s26, $0x7  }
.Ltmp7:
0x1a7: {  	s0 =	sshll.u32 s26, $0xE;
	(pc) =	sbr.rel @p1 .LBB2_18-.Ltmp7, $4  }
0x1a8: {  	s0 =	sor.u32 s0, s13  }
0x1a9: {  	s29 =	sshrl.u32 s0, $0x3  }
0x1aa: {  	s0 =	sadd.s32 s2, s29  }
0x1ab: {  	[hbm4b:s0+s3] =	stream.linear.scatter [tilespmem:s20], [sflag:$0x4], $0x2000, $0x38;
	[tilespmem:$0x1C000] =	vst v63  }
0x1ac: {  	s0 =	sadd.s32 s28, s14  }
0x1ad: {  	s1 =	sadd.s32 s11, s0  }
0x1ae: {  	s1 =	sshrl.u32 s1, $0x3  }
0x1af: {  	s17 =	simm.s32 $0x10000;
	s1 =	sadd.s32 s5, s1  }
0x1b0: {  	s18 =	simm.s32 $0x80;
	s30 =	simm.s32 $0x10100;
	s31 =	sadd.s32 $0x0, s1  }
.LBB2_14:
0x1b1: {  	[tilespmem:s17], [sflag:$0x2] =	stream.linear.gather [hbm4b:s31+s3], $0x80, $0x38;
	[tilespmem:$0x1C000] =	vst v63  }
0x1b2: {  	s31 =	smov.u32 s18;
	s17 =	smov.u32 s30;
	p2 =	sne.s32 s18, $0x1F80  }
.Ltmp8:
0x1b3: {  	s18 =	sadd.s32 $0x80, s18;
	(pc) =	sbr.rel @p2 .LBB2_14-.Ltmp8, $2  }
0x1b4: {  	_ =	sdelay $0x2  }
0x1b5: {  	s30 =	sadd.s32 $0x100, s30;
	s31 =	sadd.s32 s31, s1  }
0x1b6: {  	[tilespmem:s17], [sflag:$0x2] =	stream.linear.gather [hbm4b:s31+s3], $0x80, $0x38;
	[tilespmem:$0x1C000] =	vst v63  }
0x1b7: {  	s0 =	sadd.s32 s12, s0  }
0x1b8: {  	s0 =	sshrl.u32 s0, $0x3  }
0x1b9: {  	s1 =	simm.s32 $0x14000;
	s0 =	sadd.s32 s5, s0  }
0x1ba: {  	s17 =	simm.s32 $0x80;
	s18 =	simm.s32 $0x14100;
	s30 =	sadd.s32 $0x0, s0  }
.LBB2_16:
0x1bb: {  	[tilespmem:s1], [sflag:$0x2] =	stream.linear.gather [hbm4b:s30+s3], $0x80, $0x38;
	[tilespmem:$0x1C000] =	vst v63  }
0x1bc: {  	s30 =	smov.u32 s17;
	s1 =	smov.u32 s18;
	p2 =	sne.s32 s17, $0x1F80  }
.Ltmp9:
0x1bd: {  	s17 =	sadd.s32 $0x80, s17;
	(pc) =	sbr.rel @p2 .LBB2_16-.Ltmp9, $2  }
0x1be: {  	_ =	sdelay $0x2  }
0x1bf: {  	s18 =	sadd.s32 $0x100, s18;
	s30 =	sadd.s32 s30, s0  }
0x1c0: {  	[tilespmem:s1], [sflag:$0x2] =	stream.linear.gather [hbm4b:s30+s3], $0x80, $0x38;
	[tilespmem:$0x1C000] =	vst v63  }
.LBB2_18:
0x1c1: {  	_ =	swait.ge [sflag:s21], $0x2000  }
0x1c2: {  	[sflag:s21] =	ssyncset.done $0x0  }
0x1c3: {  	[sflag:s21] =	ssyncadd.s32 $0xFFFFE000  }
0x1c4: {  	_ =	swait.ge [sflag:s21], $0x2000  }
0x1c5: {  	[sflag:s21] =	ssyncset.done $0x0  }
0x1c6: {  	s0 =	simm.s32 @!p0 $0x5;
	[sflag:s21] =	ssyncadd.s32 $0xFFFFE000  }
0x1c7: {  	_ =	swait.ge @!p0 [sflag:s0], $0x2000  }
0x1c8: {  	s30 =	simm.s32 $0x0;
	s31 =	simm.s32 $0x14280;
	[sflag:s0] =	ssyncset.done @!p0 $0x0  }
0x1c9: {  	s1 =	simm.s32 $0x10280;
	[sflag:s0] =	ssyncadd.s32 @!p0 $0xFFFFE000;
	s0 =	simm.s32 $0x0  }
.LBB2_19:
0x1ca: {  	v0 =	vld [tilespmem:s1+$0xFFFFFE00]  }
0x1cb: {  	v1 =	vld [tilespmem:s31+$0xFFFFFE00]  }
0x1cc: {  	v4 =	vld [tilespmem:s1+$0xFFFFFE10]  }
0x1cd: {  	v7 =	vld [tilespmem:s31+$0xFFFFFE10]  }
0x1ce: {  	v17 =	vld [tilespmem:s1+$0xFFFFFE20]  }
0x1cf: {  	v57 =	vld [tilespmem:s31+$0xFFFFFE20]  }
0x1d0: {  	v19 =	vld [tilespmem:s1+$0xFFFFFE40]  }
0x1d1: {  	v22 =	vld [tilespmem:s31+$0xFFFFFE40]  }
0x1d2: {  	v0 =	vmul.f32 $2.550000000e+02, v0  }
0x1d3: {  	v1 =	vmul.f32 $2.550000000e+02, v1;
	v4 =	vmul.f32 $2.550000000e+02, v4  }
0x1d4: {  	v53 =	vmul.f32 $2.550000000e+02, v7;
	v62 =	vmul.f32 $2.550000000e+02, v17  }
0x1d5: {  	v63 =	vmul.f32 $2.550000000e+02, v57;
	v19 =	vmul.f32 $2.550000000e+02, v19  }
0x1d6: {  	v22 =	vmul.f32 $2.550000000e+02, v22;
	v2 =	vtrunc.f32 v0  }
0x1d7: {  	v3 =	vtrunc.f32 v1;
	v11 =	vtrunc.f32 v4  }
0x1d8: {  	v55 =	vtrunc.f32 v53;
	v32 =	vtrunc.f32 v62  }
0x1d9: {  	v2 =	vcvt.f32.s32 v2;
	v3 =	vcvt.f32.s32 v3  }
0x1da: {  	v54 =	vcvt.f32.s32 v11;
	v11 =	vcvt.f32.s32 v55  }
0x1db: {  	v5 =	vadd.s32 $0x1, v2;
	v6 =	vadd.s32 $0x1, v3;
	v8 =	vshll.u32 v2, $0x8  }
0x1dc: {  	v12 =	vadd.s32 $0x1, v54;
	vm0 =	vlt.s32 v5, $0xFF;
	vm13 =	vlt.s32 v6, $0xFF  }
0x1dd: {  	v9 =	vadd.s32 v3, v8;
	v5 =	vnsel vm0, $0xFF, v5;
	v6 =	vnsel vm13, $0xFF, v6  }
0x1de: {  	vm14 =	vlt.s32 v12, $0xFF;
	v5 =	vshll.u32 v5, $0x8;
	v8 =	vadd.s32 v8, v6  }
0x1df: {  	v35 =	vtrunc.f32 v63;
	v12 =	vnsel vm14, $0xFF, v12;
	v10 =	vadd.s32 v3, v5  }
0x1e0: {  	v14 =	vadd.s32 $0x1, v11;
	v12 =	vshll.u32 v12, $0x8;
	v5 =	vadd.s32 v6, v5  }
0x1e1: {  	v36 =	vld [tilespmem:s31+$0xFFFFFE30];
	v13 =	vshll.u32 v54, $0x8;
	vm15 =	vlt.s32 v14, $0xFF;
	v16 =	vadd.s32 v11, v12  }
0x1e2: {  	v26 =	vtrunc.f32 v22;
	v15 =	vadd.s32 v11, v13;
	v14 =	vnsel vm15, $0xFF, v14;
	v9 =	vld.idx.msk [tilespmem:v9+s3+$0x0], $0xffff  }
0x1e3: {  	v37 =	vcvt.f32.s32 v35;
	v26 =	vcvt.f32.s32 v26;
	v13 =	vadd.s32 v13, v14;
	v8 =	vld.idx.msk [tilespmem:v8+s3+$0x0], $0xffff  }
0x1e4: {  	v44 =	vtrunc.f32 v19;
	v2 =	vcvt.s32.f32 v2;
	v56 =	vadd.s32 v14, v12;
	v10 =	vld.idx.msk [tilespmem:v10+s3+$0x0], $0xffff  }
0x1e5: {  	v60 =	vcvt.s32.f32 v54;
	v39 =	vadd.s32 $0x1, v37;
	v45 =	vadd.s32 $0x1, v26;
	v5 =	vld.idx.msk [tilespmem:v5+s3+$0x0], $0xffff  }
0x1e6: {  	vm5 =	vlt.s32 v39, $0xFF;
	v3 =	vcvt.s32.f32 v3;
	v59 =	vld.idx.msk [tilespmem:v16+s3+$0x0], $0xffff;
	v16 =	vmul.f32 $2.550000000e+02, v36  }
0x1e7: {  	vm9 =	vlt.s32 v45, $0xFF;
	v0 =	vsub.f32 v0, v2;
	v4 =	vsub.f32 v4, v60;
	v58 =	vld.idx.msk [tilespmem:v15+s3+$0x0], $0xffff  }
0x1e8: {  	v11 =	vcvt.s32.f32 v11;
	v1 =	vsub.f32 v1, v3;
	v61 =	vld.idx.msk [tilespmem:v13+s3+$0x0], $0xffff;
	v23 =	vtrunc.f32 v16  }
0x1e9: {  	v3 =	vcvt.s32.f32 v37;
	v2 =	vld.idx.msk [tilespmem:v56+s3+$0x0], $0xffff;
	v23 =	vcvt.f32.s32 v23;
	v10 =	vsub.f32 v10, v9  }
0x1ea: {  	v33 =	vld [tilespmem:s1+$0xFFFFFE30];
	v17 =	vnsel vm5, $0xFF, v39;
	v6 =	vsub.f32 v53, v11;
	v5 =	vsub.f32 v5, v8  }
0x1eb: {  	v3 =	vsub.f32 v63, v3;
	v24 =	vadd.s32 $0x1, v23;
	v10 =	vmul.f32 v10, v0  }
0x1ec: {  	vm7 =	vlt.s32 v24, $0xFF;
	v0 =	vmul.f32 v5, v0;
	v5 =	vcvt.f32.s32 v32  }
0x1ed: {  	v34 =	vsub.f32 v59, v58;
	v43 =	vnsel vm7, $0xFF, v24;
	v24 =	vcvt.f32.s32 v44  }
0x1ee: {  	v2 =	vsub.f32 v2, v61;
	v0 =	vadd.f32 v0, v8;
	v38 =	vadd.s32 $0x1, v5  }
0x1ef: {  	v56 =	vld [tilespmem:s1+$0xFFFFFE50];
	v8 =	vmul.f32 $2.550000000e+02, v33;
	v18 =	vshll.u32 v5, $0x8;
	v29 =	vadd.s32 $0x1, v24  }
0x1f0: {  	v30 =	vshll.u32 v24, $0x8;
	vm4 =	vlt.s32 v38, $0xFF;
	v20 =	vadd.s32 v37, v18  }
0x1f1: {  	v18 =	vadd.s32 v18, v17;
	vm8 =	vlt.s32 v29, $0xFF;
	v15 =	vnsel vm4, $0xFF, v38  }
0x1f2: {  	v31 =	vadd.s32 v26, v30;
	v21 =	vtrunc.f32 v8;
	v15 =	vshll.u32 v15, $0x8  }
0x1f3: {  	v60 =	vld [tilespmem:s31+$0xFFFFFE50];
	v29 =	vnsel vm8, $0xFF, v29;
	v21 =	vcvt.f32.s32 v21;
	v40 =	vadd.s32 v37, v15  }
0x1f4: {  	v63 =	vmul.f32 $2.550000000e+02, v56;
	v32 =	vld [tilespmem:s31+$0xFFFFFE70];
	v29 =	vshll.u32 v29, $0x8;
	v15 =	vadd.s32 v17, v15  }
0x1f5: {  	v12 =	vmul.f32 v34, v4;
	v47 =	vadd.s32 v26, v29;
	v25 =	vshll.u32 v21, $0x8;
	v20 =	vld.idx.msk [tilespmem:v20+s3+$0x0], $0xffff  }
0x1f6: {  	v2 =	vmul.f32 v2, v4;
	v9 =	vadd.f32 v10, v9;
	v42 =	vld.idx.msk [tilespmem:v18+s3+$0x0], $0xffff;
	v27 =	vadd.s32 v23, v25  }
0x1f7: {  	v5 =	vcvt.s32.f32 v5;
	v12 =	vadd.f32 v12, v58;
	v25 =	vadd.s32 v25, v43;
	v50 =	vld.idx.msk [tilespmem:v31+s3+$0x0], $0xffff  }
0x1f8: {  	v2 =	vadd.f32 v2, v61;
	v41 =	vadd.s32 $0x1, v21;
	v18 =	vnsel vm9, $0xFF, v45;
	v4 =	vld.idx.msk [tilespmem:v40+s3+$0x0], $0xffff  }
0x1f9: {  	v59 =	vcvt.s32.f32 v24;
	vm6 =	vlt.s32 v41, $0xFF;
	v30 =	vadd.s32 v30, v18;
	v15 =	vld.idx.msk [tilespmem:v15+s3+$0x0], $0xffff  }
0x1fa: {  	v0 =	vsub.f32 v0, v9;
	v17 =	vnsel vm6, $0xFF, v41;
	v18 =	vadd.s32 v18, v29;
	v52 =	vld.idx.msk [tilespmem:v47+s3+$0x0], $0xffff  }
0x1fb: {  	v61 =	vcvt.s32.f32 v23;
	v2 =	vsub.f32 v2, v12;
	v17 =	vshll.u32 v17, $0x8;
	v27 =	vld.idx.msk [tilespmem:v27+s3+$0x0], $0xffff  }
0x1fc: {  	v10 =	vmul.f32 $2.550000000e+02, v60;
	v0 =	vmul.f32 v0, v1;
	v28 =	vadd.s32 v23, v17;
	v46 =	vld.idx.msk [tilespmem:v25+s3+$0x0], $0xffff  }
0x1fd: {  	v2 =	vmul.f32 v2, v6;
	v53 =	vcvt.s32.f32 v21;
	v17 =	vadd.s32 v43, v17;
	v25 =	vld [tilespmem:s31+$0xFFFFFE60]  }
0x1fe: {  	v5 =	vsub.f32 v62, v5;
	v23 =	vcvt.s32.f32 v26;
	v26 =	vtrunc.f32 v10;
	v51 =	vld.idx.msk [tilespmem:v30+s3+$0x0], $0xffff  }
0x1ff: {  	v1 =	vadd.f32 v0, v9;
	v0 =	vadd.f32 v2, v12;
	v14 =	vcvt.f32.s32 v26;
	v54 =	vld.idx.msk [tilespmem:v18+s3+$0x0], $0xffff  }
0x200: {  	v24 =	vtrunc.f32 v63;
	v9 =	vsub.f32 v19, v59;
	v57 =	vsub.f32 v8, v53;
	v30 =	vld [tilespmem:s1+$0xFFFFFE70]  }
0x201: {  	v29 =	vadd.s32 $0x1, v14;
	v4 =	vsub.f32 v4, v20;
	v15 =	vsub.f32 v15, v42;
	v48 =	vld.idx.msk [tilespmem:v28+s3+$0x0], $0xffff  }
0x202: {  	v12 =	vsub.f32 v22, v23;
	vm11 =	vlt.s32 v29, $0xFF;
	v49 =	vld.idx.msk [tilespmem:v17+s3+$0x0], $0xffff;
	v6 =	vsub.f32 v52, v50  }
0x203: {  	v17 =	vnsel vm11, $0xFF, v29;
	v4 =	vmul.f32 v4, v5;
	v5 =	vmul.f32 v15, v5  }
0x204: {  	v6 =	vmul.f32 v6, v9;
	v13 =	vmul.f32 $2.550000000e+02, v25;
	v62 =	vsub.f32 v54, v51  }
0x205: {  	v18 =	vmul.f32 $2.550000000e+02, v30;
	v4 =	vadd.f32 v4, v20;
	v5 =	vadd.f32 v5, v42  }
0x206: {  	v34 =	vtrunc.f32 v13;
	v20 =	vmul.f32 $2.550000000e+02, v32;
	v58 =	vsub.f32 v48, v27  }
0x207: {  	v11 =	vsub.f32 v49, v46;
	v9 =	vmul.f32 v62, v9;
	v22 =	vcvt.f32.s32 v34  }
0x208: {  	v21 =	vld [tilespmem:s1+$0xFFFFFE60];
	v39 =	vtrunc.f32 v18;
	v5 =	vsub.f32 v5, v4;
	v41 =	vtrunc.f32 v20  }
0x209: {  	v8 =	vmul.f32 v58, v57;
	v11 =	vmul.f32 v11, v57;
	v9 =	vadd.f32 v9, v51  }
0x20a: {  	v37 =	vadd.s32 $0x1, v22;
	v26 =	vcvt.f32.s32 v41;
	v55 =	vmul.f32 v5, v3  }
0x20b: {  	v5 =	vadd.f32 v6, v50;
	v6 =	vcvt.f32.s32 v24;
	vm13 =	vlt.s32 v37, $0xFF  }
0x20c: {  	v24 =	vcvt.f32.s32 v39;
	v3 =	vadd.f32 v8, v27;
	v7 =	vadd.f32 v11, v46  }
0x20d: {  	v11 =	vmul.f32 $2.550000000e+02, v21;
	v38 =	vnsel vm13, $0xFF, v37;
	v2 =	vadd.f32 v55, v4  }
0x20e: {  	v47 =	vadd.s32 $0x1, v26;
	v4 =	vsub.f32 v16, v61;
	v9 =	vsub.f32 v9, v5  }
0x20f: {  	v27 =	vcvt.s32.f32 v6;
	v28 =	vadd.s32 $0x1, v6;
	v6 =	vshll.u32 v6, $0x8  }
0x210: {  	v45 =	vadd.s32 $0x1, v24;
	vm15 =	vlt.s32 v47, $0xFF;
	v32 =	vshll.u32 v24, $0x8  }
0x211: {  	v24 =	vcvt.s32.f32 v24;
	v7 =	vsub.f32 v7, v3;
	vm10 =	vlt.s32 v28, $0xFF  }
0x212: {  	v31 =	vtrunc.f32 v11;
	v33 =	vadd.s32 v14, v6;
	v6 =	vadd.s32 v6, v17  }
0x213: {  	v46 =	vld [tilespmem:s1+$0xFFFFFF00];
	vm14 =	vlt.s32 v45, $0xFF;
	v34 =	vadd.s32 v26, v32;
	v16 =	vnsel vm10, $0xFF, v28  }
0x214: {  	v19 =	vcvt.f32.s32 v31;
	v15 =	vsub.f32 v63, v27;
	v30 =	vnsel vm14, $0xFF, v45  }
0x215: {  	v61 =	vsub.f32 v18, v24;
	v16 =	vshll.u32 v16, $0x8;
	v30 =	vshll.u32 v30, $0x8  }
0x216: {  	v43 =	vld [tilespmem:s31+$0xFFFFFF00];
	v4 =	vmul.f32 v7, v4;
	v35 =	vadd.s32 v14, v16;
	v36 =	vadd.s32 $0x1, v19  }
0x217: {  	v45 =	vld [tilespmem:s31+$0xFFFFFF20];
	v16 =	vadd.s32 v17, v16;
	v40 =	vshll.u32 v19, $0x8;
	v14 =	vcvt.s32.f32 v14  }
0x218: {  	v48 =	vadd.s32 v26, v30;
	v31 =	vmul.f32 $2.550000000e+02, v46;
	v50 =	vcvt.s32.f32 v19;
	v21 =	vld.idx.msk [tilespmem:v33+s3+$0x0], $0xffff  }
0x219: {  	vm12 =	vlt.s32 v36, $0xFF;
	v42 =	vadd.s32 v22, v40;
	v25 =	vadd.s32 v40, v38;
	v6 =	vld.idx.msk [tilespmem:v6+s3+$0x0], $0xffff  }
0x21a: {  	v4 =	vadd.f32 v4, v3;
	v8 =	vnsel vm12, $0xFF, v36;
	v33 =	vnsel vm15, $0xFF, v47;
	v51 =	vld.idx.msk [tilespmem:v34+s3+$0x0], $0xffff  }
0x21b: {  	v10 =	vsub.f32 v10, v14;
	v11 =	vsub.f32 v11, v50;
	v47 =	vld [tilespmem:s1+$0xFFFFFF20];
	v8 =	vshll.u32 v8, $0x8  }
0x21c: {  	v36 =	vcvt.s32.f32 v26;
	v32 =	vadd.s32 v32, v33;
	v44 =	vadd.s32 v22, v8;
	v23 =	vld.idx.msk [tilespmem:v35+s3+$0x0], $0xffff  }
0x21d: {  	v17 =	vadd.s32 v38, v8;
	v8 =	vmul.f32 $2.550000000e+02, v43;
	v22 =	vcvt.s32.f32 v22;
	v16 =	vld.idx.msk [tilespmem:v16+s3+$0x0], $0xffff  }
0x21e: {  	v30 =	vadd.s32 v33, v30;
	v38 =	vmul.f32 v9, v12;
	v35 =	vtrunc.f32 v31;
	v55 =	vld.idx.msk [tilespmem:v48+s3+$0x0], $0xffff  }
0x21f: {  	v40 =	vsub.f32 v20, v36;
	v27 =	vld.idx.msk [tilespmem:v42+s3+$0x0], $0xffff;
	v49 =	vtrunc.f32 v8;
	v52 =	vcvt.f32.s32 v35  }
0x220: {  	v25 =	vld.idx.msk [tilespmem:v25+s3+$0x0], $0xffff;
	v5 =	vadd.f32 v38, v5;
	v33 =	vcvt.f32.s32 v49;
	v18 =	vmul.f32 $2.550000000e+02, v47  }
0x221: {  	v35 =	vld [tilespmem:s31+$0xFFFFFF10];
	v56 =	vshll.u32 v52, $0x8;
	v57 =	vadd.s32 $0x1, v52;
	v42 =	vcvt.s32.f32 v52  }
0x222: {  	v53 =	vld.idx.msk [tilespmem:v32+s3+$0x0], $0xffff;
	v54 =	vadd.s32 $0x1, v33;
	v58 =	vadd.s32 v33, v56;
	vm5 =	vlt.s32 v57, $0xFF  }
0x223: {  	v30 =	vld.idx.msk [tilespmem:v30+s3+$0x0], $0xffff;
	v50 =	vcvt.s32.f32 v33;
	v23 =	vsub.f32 v23, v21;
	v16 =	vsub.f32 v16, v6  }
0x224: {  	v29 =	vld.idx.msk [tilespmem:v44+s3+$0x0], $0xffff;
	vm4 =	vlt.s32 v54, $0xFF;
	v32 =	vnsel vm5, $0xFF, v57;
	v14 =	vsub.f32 v55, v51  }
0x225: {  	v17 =	vld.idx.msk [tilespmem:v17+s3+$0x0], $0xffff;
	v12 =	vsub.f32 v31, v42;
	v60 =	vshll.u32 v32, $0x8;
	v32 =	vsub.f32 v13, v22  }
0x226: {  	v44 =	vmul.f32 $2.550000000e+02, v35;
	v13 =	vmul.f32 $2.550000000e+02, v45;
	v8 =	vsub.f32 v8, v50  }
0x227: {  	v57 =	vld [tilespmem:s1+$0xFFFFFF30];
	v23 =	vmul.f32 v23, v15;
	v15 =	vmul.f32 v16, v15;
	v62 =	vadd.s32 v33, v60  }
0x228: {  	v14 =	vmul.f32 v14, v61;
	v63 =	vsub.f32 v30, v53;
	v49 =	vtrunc.f32 v44  }
0x229: {  	v21 =	vadd.f32 v23, v21;
	v23 =	vnsel vm4, $0xFF, v54;
	v29 =	vsub.f32 v29, v27  }
0x22a: {  	v17 =	vsub.f32 v17, v25;
	v14 =	vadd.f32 v14, v51;
	v51 =	vcvt.f32.s32 v49  }
0x22b: {  	v54 =	vtrunc.f32 v13;
	v28 =	vadd.s32 v56, v23;
	v56 =	vtrunc.f32 v18  }
0x22c: {  	v6 =	vadd.f32 v15, v6;
	v22 =	vcvt.f32.s32 v54;
	v26 =	vmul.f32 $2.550000000e+02, v57  }
0x22d: {  	v23 =	vadd.s32 v23, v60;
	v59 =	vmul.f32 v29, v11;
	v11 =	vmul.f32 v17, v11  }
0x22e: {  	v6 =	vsub.f32 v6, v21;
	v17 =	vmul.f32 v63, v61;
	v20 =	vadd.s32 $0x1, v51  }
0x22f: {  	v30 =	vld.idx.msk [tilespmem:v58+s3+$0x0], $0xffff;
	v24 =	vcvt.f32.s32 v56;
	vm7 =	vlt.s32 v20, $0xFF;
	v38 =	vtrunc.f32 v26  }
0x230: {  	v60 =	vld [tilespmem:s31+$0xFFFFFF30];
	v54 =	vcvt.s32.f32 v22;
	v15 =	vadd.f32 v59, v27;
	v11 =	vadd.f32 v11, v25  }
0x231: {  	v29 =	vld [tilespmem:s1+$0xFFFFFF10];
	v16 =	vadd.f32 v17, v53;
	v6 =	vmul.f32 v6, v10;
	v20 =	vnsel vm7, $0xFF, v20  }
0x232: {  	v37 =	vld.idx.msk [tilespmem:v62+s3+$0x0], $0xffff;
	v59 =	vadd.s32 $0x1, v22;
	v61 =	vadd.s32 $0x1, v24;
	v62 =	vshll.u32 v24, $0x8  }
0x233: {  	v24 =	vcvt.s32.f32 v24;
	vm8 =	vlt.s32 v59, $0xFF;
	vm9 =	vlt.s32 v61, $0xFF  }
0x234: {  	v63 =	vadd.s32 v22, v62;
	v13 =	vsub.f32 v13, v54;
	v11 =	vsub.f32 v11, v15  }
0x235: {  	v25 =	vld.idx.msk [tilespmem:v28+s3+$0x0], $0xffff;
	v41 =	vsub.f32 v16, v14;
	v3 =	vadd.f32 v6, v21;
	v28 =	vmul.f32 $2.550000000e+02, v60  }
0x236: {  	v18 =	vsub.f32 v18, v24;
	v43 =	vmul.f32 $2.550000000e+02, v29;
	v29 =	vnsel vm9, $0xFF, v61  }
0x237: {  	v39 =	vld.idx.msk [tilespmem:v23+s3+$0x0], $0xffff;
	v7 =	vmul.f32 v11, v32;
	v10 =	vmul.f32 v41, v40;
	v17 =	vsub.f32 v37, v30  }
0x238: {  	v36 =	vshll.u32 v29, $0x8;
	v37 =	vcvt.s32.f32 v51;
	v40 =	vcvt.f32.s32 v38  }
0x239: {  	v41 =	vtrunc.f32 v28;
	v46 =	vtrunc.f32 v43;
	v29 =	vadd.s32 v22, v36  }
0x23a: {  	v48 =	vcvt.f32.s32 v46;
	v6 =	vadd.f32 v7, v15;
	v17 =	vmul.f32 v17, v12  }
0x23b: {  	v7 =	vadd.f32 v10, v14;
	v11 =	vsub.f32 v44, v37;
	v46 =	vshll.u32 v40, $0x8  }
0x23c: {  	v14 =	vcvt.s32.f32 v40;
	v9 =	vsub.f32 v39, v25;
	v52 =	vadd.s32 $0x1, v48  }
0x23d: {  	v44 =	vld [tilespmem:s1+$0xFFFFFF40];
	v53 =	vshll.u32 v48, $0x8;
	v19 =	vcvt.s32.f32 v48;
	vm6 =	vlt.s32 v52, $0xFF  }
0x23e: {  	v37 =	vld [tilespmem:s1+$0xFFFFFF50];
	v9 =	vmul.f32 v9, v12;
	v55 =	vadd.s32 v51, v53;
	v12 =	vnsel vm6, $0xFF, v52  }
0x23f: {  	v39 =	vld.idx.msk [tilespmem:v63+s3+$0x0], $0xffff;
	v17 =	vadd.f32 v17, v30;
	v21 =	vadd.s32 v53, v20;
	v12 =	vshll.u32 v12, $0x8  }
0x240: {  	v48 =	vld [tilespmem:s31+$0xFFFFFF40];
	v14 =	vsub.f32 v26, v14;
	v16 =	vsub.f32 v43, v19;
	v58 =	vadd.s32 v51, v12  }
0x241: {  	v43 =	vadd.s32 $0x1, v40;
	v29 =	vld.idx.msk [tilespmem:v29+s3+$0x0], $0xffff;
	v12 =	vadd.s32 v20, v12;
	v20 =	vnsel vm8, $0xFF, v59  }
0x242: {  	v40 =	vld [tilespmem:s31+$0xFFFFFF50];
	v9 =	vadd.f32 v9, v25;
	v25 =	vcvt.f32.s32 v41;
	v35 =	vadd.s32 v62, v20  }
0x243: {  	vm10 =	vlt.s32 v43, $0xFF;
	v30 =	vmul.f32 $2.550000000e+02, v44;
	v20 =	vadd.s32 v20, v36;
	v23 =	vld.idx.msk [tilespmem:v55+s3+$0x0], $0xffff  }
0x244: {  	v19 =	vnsel vm10, $0xFF, v43;
	v45 =	vadd.s32 $0x1, v25;
	v47 =	vadd.s32 v25, v46;
	v21 =	vld.idx.msk [tilespmem:v21+s3+$0x0], $0xffff  }
0x245: {  	v9 =	vsub.f32 v9, v17;
	v19 =	vshll.u32 v19, $0x8;
	vm11 =	vlt.s32 v45, $0xFF;
	v27 =	vld.idx.msk [tilespmem:v58+s3+$0x0], $0xffff  }
0x246: {  	v52 =	vtrunc.f32 v30;
	v49 =	vadd.s32 v25, v19;
	v31 =	vnsel vm11, $0xFF, v45;
	v12 =	vld.idx.msk [tilespmem:v12+s3+$0x0], $0xffff  }
0x247: {  	v24 =	vcvt.f32.s32 v52;
	v51 =	vsub.f32 v29, v39;
	v32 =	vadd.s32 v46, v31;
	v42 =	vld.idx.msk [tilespmem:v35+s3+$0x0], $0xffff  }
0x248: {  	v29 =	vmul.f32 $2.550000000e+02, v48;
	v8 =	vmul.f32 v9, v8;
	v50 =	vadd.s32 v31, v19;
	v20 =	vld.idx.msk [tilespmem:v20+s3+$0x0], $0xffff  }
0x249: {  	v62 =	vshll.u32 v24, $0x8;
	v46 =	vcvt.s32.f32 v24;
	v19 =	vmul.f32 v51, v18;
	v53 =	vld.idx.msk [tilespmem:v47+s3+$0x0], $0xffff  }
0x24a: {  	v57 =	vtrunc.f32 v29;
	v58 =	vadd.s32 $0x1, v24;
	v10 =	vadd.f32 v8, v17;
	v47 =	vld [tilespmem:s1+$0xFFFFFF60]  }
0x24b: {  	v17 =	vmul.f32 $2.550000000e+02, v40;
	v60 =	vcvt.f32.s32 v57;
	vm12 =	vlt.s32 v58, $0xFF;
	v56 =	vld.idx.msk [tilespmem:v49+s3+$0x0], $0xffff  }
0x24c: {  	v19 =	vadd.f32 v19, v39;
	v61 =	vnsel vm12, $0xFF, v58;
	v39 =	vcvt.s32.f32 v25;
	v55 =	vld.idx.msk [tilespmem:v32+s3+$0x0], $0xffff  }
0x24d: {  	v51 =	vtrunc.f32 v17;
	v45 =	vadd.s32 $0x1, v60;
	v59 =	vld.idx.msk [tilespmem:v50+s3+$0x0], $0xffff;
	v27 =	vsub.f32 v27, v23  }
0x24e: {  	v63 =	vadd.s32 v60, v62;
	vm13 =	vlt.s32 v45, $0xFF;
	v50 =	vld [tilespmem:s31+$0xFFFFFF60];
	v12 =	vsub.f32 v12, v21  }
0x24f: {  	v20 =	vsub.f32 v20, v42;
	v22 =	vmul.f32 $2.550000000e+02, v47;
	v27 =	vmul.f32 v27, v16  }
0x250: {  	v12 =	vmul.f32 v12, v16;
	v35 =	vsub.f32 v56, v53;
	v16 =	vcvt.s32.f32 v60  }
0x251: {  	v18 =	vmul.f32 v20, v18;
	v20 =	vmul.f32 $2.550000000e+02, v37;
	v23 =	vadd.f32 v27, v23  }
0x252: {  	v56 =	vtrunc.f32 v22;
	v12 =	vadd.f32 v12, v21;
	v36 =	vsub.f32 v59, v55  }
0x253: {  	v41 =	vmul.f32 v35, v14;
	v21 =	vsub.f32 v30, v46;
	v25 =	vmul.f32 $2.550000000e+02, v50  }
0x254: {  	v47 =	vsub.f32 v29, v16;
	v15 =	vadd.f32 v18, v42;
	v18 =	vshll.u32 v61, $0x8  }
0x255: {  	v49 =	vtrunc.f32 v20;
	v12 =	vsub.f32 v12, v23;
	v42 =	vmul.f32 v36, v14  }
0x256: {  	v33 =	vadd.s32 v60, v18;
	v24 =	vcvt.f32.s32 v49;
	v58 =	vtrunc.f32 v25  }
0x257: {  	v60 =	vld [tilespmem:s1+$0xFFFFFF70];
	v34 =	vsub.f32 v15, v19;
	v11 =	vmul.f32 v12, v11;
	v12 =	vadd.f32 v42, v55  }
0x258: {  	v54 =	vadd.s32 $0x1, v24;
	v57 =	vshll.u32 v24, $0x8;
	v24 =	vcvt.s32.f32 v24  }
0x259: {  	v38 =	vmul.f32 v34, v13;
	v13 =	vsub.f32 v28, v39;
	vm14 =	vlt.s32 v54, $0xFF  }
0x25a: {  	v28 =	vcvt.f32.s32 v58;
	v9 =	vadd.f32 v11, v23;
	v11 =	vadd.f32 v41, v53  }
0x25b: {  	v53 =	vcvt.f32.s32 v51;
	v8 =	vadd.f32 v38, v19;
	v19 =	vnsel vm13, $0xFF, v45  }
0x25c: {  	v40 =	vadd.s32 $0x1, v28;
	v31 =	vmul.f32 $2.550000000e+02, v60;
	v12 =	vsub.f32 v12, v11  }
0x25d: {  	v43 =	vld.idx.msk [tilespmem:v63+s3+$0x0], $0xffff;
	v48 =	vadd.s32 v62, v19;
	v52 =	vadd.s32 v19, v18;
	v26 =	vadd.s32 $0x1, v53  }
0x25e: {  	v44 =	vld.idx.msk [tilespmem:v33+s3+$0x0], $0xffff;
	v19 =	vnsel vm14, $0xFF, v54;
	v59 =	vadd.s32 v53, v57;
	vm5 =	vlt.s32 v40, $0xFF  }
0x25f: {  	v54 =	vsub.f32 v20, v24;
	v18 =	vcvt.s32.f32 v53;
	vm15 =	vlt.s32 v26, $0xFF  }
0x260: {  	v19 =	vshll.u32 v19, $0x8;
	v36 =	vnsel vm5, $0xFF, v40;
	v40 =	vcvt.s32.f32 v28  }
0x261: {  	v63 =	vld [tilespmem:s31+$0xFFFFFF70];
	v55 =	vnsel vm15, $0xFF, v26;
	v26 =	vcvt.f32.s32 v56;
	v61 =	vadd.s32 v53, v19  }
0x262: {  	v12 =	vmul.f32 v12, v13;
	v17 =	vsub.f32 v17, v18;
	v27 =	vadd.s32 v57, v55;
	v23 =	vld.idx.msk [tilespmem:v48+s3+$0x0], $0xffff  }
0x263: {  	v19 =	vadd.s32 v55, v19;
	v15 =	vsub.f32 v44, v43;
	v62 =	vadd.s32 $0x1, v26;
	v13 =	vld.idx.msk [tilespmem:v52+s3+$0x0], $0xffff  }
0x264: {  	v41 =	vshll.u32 v26, $0x8;
	v44 =	vtrunc.f32 v31;
	v11 =	vadd.f32 v12, v11;
	v30 =	vld.idx.msk [tilespmem:v59+s3+$0x0], $0xffff  }
0x265: {  	v26 =	vcvt.s32.f32 v26;
	vm4 =	vlt.s32 v62, $0xFF;
	v45 =	vcvt.f32.s32 v44;
	v44 =	vld [tilespmem:s1+$0x20]  }
0x266: {  	v37 =	vadd.s32 v28, v41;
	v15 =	vmul.f32 v15, v21;
	v33 =	vnsel vm4, $0xFF, v62;
	v42 =	vld.idx.msk [tilespmem:v61+s3+$0x0], $0xffff  }
0x267: {  	v35 =	vadd.s32 v41, v36;
	v62 =	vsub.f32 v22, v26;
	v33 =	vshll.u32 v33, $0x8;
	v27 =	vld.idx.msk [tilespmem:v27+s3+$0x0], $0xffff  }
0x268: {  	v56 =	vadd.s32 $0x1, v45;
	v14 =	vadd.f32 v15, v43;
	v15 =	vmul.f32 $2.550000000e+02, v63;
	v19 =	vld.idx.msk [tilespmem:v19+s3+$0x0], $0xffff  }
0x269: {  	v61 =	vld [tilespmem:s1+$0x0];
	v43 =	vadd.s32 v28, v33;
	v33 =	vadd.s32 v36, v33;
	vm6 =	vlt.s32 v56, $0xFF  }
0x26a: {  	v24 =	vnsel vm6, $0xFF, v56;
	v13 =	vsub.f32 v13, v23;
	v46 =	vtrunc.f32 v15  }
0x26b: {  	v38 =	vld [tilespmem:s31+$0x0];
	v58 =	vshll.u32 v45, $0x8;
	v24 =	vshll.u32 v24, $0x8;
	v34 =	vcvt.f32.s32 v46  }
0x26c: {  	v55 =	vld.idx.msk [tilespmem:v35+s3+$0x0], $0xffff;
	v35 =	vmul.f32 $2.550000000e+02, v44;
	v13 =	vmul.f32 v13, v21;
	v21 =	vsub.f32 v42, v30  }
0x26d: {  	v48 =	vld.idx.msk [tilespmem:v37+s3+$0x0], $0xffff;
	v57 =	vadd.s32 $0x1, v34;
	v60 =	vadd.s32 v34, v58;
	v19 =	vsub.f32 v19, v27  }
0x26e: {  	v32 =	vld.idx.msk [tilespmem:v43+s3+$0x0], $0xffff;
	v39 =	vadd.s32 v34, v24;
	v43 =	vmul.f32 $2.550000000e+02, v61;
	v13 =	vadd.f32 v13, v23  }
0x26f: {  	v33 =	vld.idx.msk [tilespmem:v33+s3+$0x0], $0xffff;
	vm7 =	vlt.s32 v57, $0xFF;
	v21 =	vmul.f32 v21, v54;
	v23 =	vcvt.s32.f32 v45  }
0x270: {  	v59 =	vnsel vm7, $0xFF, v57;
	v16 =	vmul.f32 v19, v54;
	v52 =	vtrunc.f32 v43  }
0x271: {  	v13 =	vsub.f32 v13, v14;
	v36 =	vadd.s32 v58, v59;
	v21 =	vadd.f32 v21, v30  }
0x272: {  	v26 =	vcvt.f32.s32 v52;
	v23 =	vsub.f32 v31, v23;
	v52 =	vtrunc.f32 v35  }
0x273: {  	v27 =	vadd.f32 v16, v27;
	v16 =	vmul.f32 $2.550000000e+02, v38;
	v12 =	vmul.f32 v13, v47  }
0x274: {  	v58 =	vld [tilespmem:s31+$0x10];
	v13 =	vadd.s32 v59, v24;
	v63 =	vsub.f32 v32, v48;
	v41 =	vsub.f32 v33, v55  }
0x275: {  	v54 =	vadd.s32 $0x1, v26;
	v24 =	vsub.f32 v25, v40;
	v27 =	vsub.f32 v27, v21  }
0x276: {  	v42 =	vld.idx.msk [tilespmem:v60+s3+$0x0], $0xffff;
	v53 =	vtrunc.f32 v16;
	vm8 =	vlt.s32 v54, $0xFF;
	v22 =	vmul.f32 v63, v62  }
0x277: {  	v51 =	vld.idx.msk [tilespmem:v39+s3+$0x0], $0xffff;
	v50 =	vmul.f32 v41, v62;
	v20 =	vcvt.f32.s32 v53;
	v29 =	vnsel vm8, $0xFF, v54  }
0x278: {  	v40 =	vld [tilespmem:s31+$0x30];
	v62 =	vcvt.s32.f32 v34;
	v29 =	vshll.u32 v29, $0x8;
	v17 =	vmul.f32 v27, v17  }
0x279: {  	v27 =	vmul.f32 $2.550000000e+02, v58;
	v22 =	vadd.f32 v22, v48;
	v18 =	vadd.f32 v50, v55  }
0x27a: {  	v47 =	vld [tilespmem:s31+$0x20];
	v55 =	vshll.u32 v26, $0x8;
	v59 =	vadd.s32 v20, v29;
	v26 =	vcvt.s32.f32 v26  }
0x27b: {  	v49 =	vld.idx.msk [tilespmem:v36+s3+$0x0], $0xffff;
	v45 =	vadd.s32 $0x1, v20;
	v15 =	vsub.f32 v15, v62;
	v56 =	vadd.s32 v20, v55  }
0x27c: {  	v13 =	vld.idx.msk [tilespmem:v13+s3+$0x0], $0xffff;
	v19 =	vsub.f32 v51, v42;
	vm9 =	vlt.s32 v45, $0xFF;
	v48 =	vtrunc.f32 v27  }
0x27d: {  	v40 =	vmul.f32 $2.550000000e+02, v40;
	v20 =	vcvt.s32.f32 v20;
	v18 =	vsub.f32 v18, v22  }
0x27e: {  	v57 =	vld [tilespmem:s1+$0x10];
	v26 =	vsub.f32 v43, v26;
	v28 =	vnsel vm9, $0xFF, v45;
	v30 =	vcvt.f32.s32 v48  }
0x27f: {  	v60 =	vmul.f32 v19, v23;
	v33 =	vadd.s32 v55, v28;
	v28 =	vadd.s32 v28, v29  }
0x280: {  	v29 =	vmul.f32 $2.550000000e+02, v47;
	v47 =	vtrunc.f32 v40;
	v34 =	vadd.s32 $0x1, v30  }
0x281: {  	v16 =	vsub.f32 v16, v20;
	vm11 =	vlt.s32 v34, $0xFF;
	v36 =	vsub.f32 v13, v49  }
0x282: {  	v18 =	vmul.f32 v18, v24;
	v51 =	vnsel vm11, $0xFF, v34;
	v34 =	vcvt.f32.s32 v52  }
0x283: {  	v25 =	vadd.f32 v60, v42;
	v61 =	vmul.f32 v36, v23;
	v23 =	vmul.f32 $2.550000000e+02, v57  }
0x284: {  	v54 =	vtrunc.f32 v29;
	v13 =	vadd.f32 v12, v14;
	v42 =	vadd.s32 $0x1, v34  }
0x285: {  	v55 =	vld [tilespmem:s1+$0x30];
	v37 =	vcvt.f32.s32 v54;
	vm12 =	vlt.s32 v42, $0xFF;
	v46 =	vtrunc.f32 v23  }
0x286: {  	v24 =	vld.idx.msk [tilespmem:v59+s3+$0x0], $0xffff;
	v12 =	vadd.f32 v17, v21;
	v42 =	vnsel vm12, $0xFF, v42;
	v31 =	vcvt.f32.s32 v46  }
0x287: {  	v63 =	vld.idx.msk [tilespmem:v56+s3+$0x0], $0xffff;
	v57 =	vadd.s32 $0x1, v37;
	v43 =	vshll.u32 v34, $0x8;
	v42 =	vshll.u32 v42, $0x8  }
0x288: {  	v19 =	vadd.f32 v61, v49;
	v45 =	vadd.s32 v37, v42;
	v49 =	vadd.s32 $0x1, v31  }
0x289: {  	v33 =	vld.idx.msk [tilespmem:v33+s3+$0x0], $0xffff;
	v44 =	vadd.s32 v37, v43;
	v53 =	vshll.u32 v31, $0x8;
	vm10 =	vlt.s32 v49, $0xFF  }
0x28a: {  	v28 =	vld.idx.msk [tilespmem:v28+s3+$0x0], $0xffff;
	v38 =	vmul.f32 $2.550000000e+02, v55;
	v56 =	vadd.s32 v30, v53;
	v50 =	vnsel vm10, $0xFF, v49  }
0x28b: {  	vm13 =	vlt.s32 v57, $0xFF;
	v36 =	vadd.s32 v53, v51;
	v14 =	vshll.u32 v50, $0x8  }
0x28c: {  	v24 =	vsub.f32 v24, v63;
	v46 =	vtrunc.f32 v38;
	v41 =	vadd.s32 v30, v14  }
0x28d: {  	v46 =	vcvt.f32.s32 v46;
	v32 =	vadd.s32 v51, v14;
	v14 =	vnsel vm13, $0xFF, v57;
	v61 =	vld.idx.msk [tilespmem:v45+s3+$0x0], $0xffff  }
0x28e: {  	v43 =	vadd.s32 v43, v14;
	v42 =	vadd.s32 v14, v42;
	v14 =	vadd.f32 v18, v22;
	v22 =	vld.idx.msk [tilespmem:v44+s3+$0x0], $0xffff  }
0x28f: {  	v19 =	vsub.f32 v19, v25;
	v24 =	vmul.f32 v24, v26;
	v28 =	vsub.f32 v28, v33;
	v39 =	vld.idx.msk [tilespmem:v56+s3+$0x0], $0xffff  }
0x290: {  	v31 =	vcvt.s32.f32 v31;
	v59 =	vadd.s32 $0x1, v46;
	v18 =	vcvt.f32.s32 v47;
	v36 =	vld.idx.msk [tilespmem:v36+s3+$0x0], $0xffff  }
0x291: {  	v62 =	vshll.u32 v46, $0x8;
	v15 =	vmul.f32 v19, v15;
	v21 =	vadd.f32 v24, v63;
	v41 =	vld.idx.msk [tilespmem:v41+s3+$0x0], $0xffff  }
0x292: {  	vm14 =	vlt.s32 v59, $0xFF;
	v26 =	vmul.f32 v28, v26;
	v60 =	vadd.s32 $0x1, v18;
	v58 =	vld.idx.msk [tilespmem:v32+s3+$0x0], $0xffff  }
0x293: {  	v24 =	vnsel vm14, $0xFF, v59;
	v50 =	vcvt.s32.f32 v34;
	vm15 =	vlt.s32 v60, $0xFF;
	v32 =	vld.idx.msk [tilespmem:v43+s3+$0x0], $0xffff  }
0x294: {  	v24 =	vshll.u32 v24, $0x8;
	v26 =	vadd.f32 v26, v33;
	v48 =	vnsel vm15, $0xFF, v60;
	v63 =	vld.idx.msk [tilespmem:v42+s3+$0x0], $0xffff  }
0x295: {  	v49 =	vadd.s32 v18, v62;
	v51 =	vadd.s32 v18, v24;
	v45 =	vadd.s32 v62, v48;
	v43 =	vld [tilespmem:s31+$0x50]  }
0x296: {  	v24 =	vadd.s32 v48, v24;
	v53 =	vsub.f32 v61, v22;
	v61 =	vcvt.s32.f32 v46;
	v48 =	vld [tilespmem:s1+$0x60]  }
0x297: {  	v23 =	vsub.f32 v23, v31;
	v30 =	vcvt.s32.f32 v30;
	v26 =	vsub.f32 v26, v21  }
0x298: {  	v59 =	vcvt.s32.f32 v37;
	v33 =	vsub.f32 v35, v50;
	v34 =	vsub.f32 v38, v61;
	v38 =	vld [tilespmem:s1+$0x50]  }
0x299: {  	v50 =	vld [tilespmem:s31+$0x60];
	v27 =	vsub.f32 v27, v30;
	v16 =	vmul.f32 v26, v16;
	v52 =	vsub.f32 v41, v39  }
0x29a: {  	v54 =	vld.idx.msk [tilespmem:v49+s3+$0x0], $0xffff;
	v57 =	vmul.f32 v53, v33;
	v17 =	vsub.f32 v58, v36;
	v28 =	vsub.f32 v63, v32  }
0x29b: {  	v58 =	vld.idx.msk [tilespmem:v51+s3+$0x0], $0xffff;
	v63 =	vsub.f32 v29, v59;
	v29 =	vmul.f32 $2.550000000e+02, v43;
	v30 =	vmul.f32 $2.550000000e+02, v48  }
0x29c: {  	v15 =	vadd.f32 v15, v25;
	v56 =	vld.idx.msk [tilespmem:v45+s3+$0x0], $0xffff;
	v55 =	vmul.f32 v52, v23;
	v17 =	vmul.f32 v17, v23  }
0x29d: {  	v22 =	vadd.f32 v57, v22;
	v24 =	vld.idx.msk [tilespmem:v24+s3+$0x0], $0xffff;
	v28 =	vmul.f32 v28, v33;
	v26 =	vmul.f32 $2.550000000e+02, v38  }
0x29e: {  	v60 =	vld [tilespmem:s1+$0x40];
	v51 =	vtrunc.f32 v29;
	v33 =	vmul.f32 $2.550000000e+02, v50;
	v20 =	vadd.f32 v55, v39  }
0x29f: {  	v62 =	vld [tilespmem:s31+$0x40];
	v17 =	vadd.f32 v17, v36;
	v39 =	vcvt.s32.f32 v18;
	v28 =	vadd.f32 v28, v32  }
0x2a0: {  	v35 =	vsub.f32 v58, v54;
	v49 =	vtrunc.f32 v26;
	v58 =	vtrunc.f32 v30  }
0x2a1: {  	v61 =	vtrunc.f32 v33;
	v17 =	vsub.f32 v17, v20;
	v32 =	vcvt.f32.s32 v49  }
0x2a2: {  	v24 =	vsub.f32 v24, v56;
	v38 =	vcvt.f32.s32 v58;
	v36 =	vmul.f32 v35, v34  }
0x2a3: {  	v16 =	vadd.f32 v16, v21;
	v17 =	vmul.f32 v17, v27;
	v27 =	vmul.f32 $2.550000000e+02, v60  }
0x2a4: {  	v28 =	vsub.f32 v28, v22;
	v37 =	vmul.f32 v24, v34;
	v24 =	vmul.f32 $2.550000000e+02, v62  }
0x2a5: {  	v34 =	vcvt.f32.s32 v51;
	v60 =	vshll.u32 v32, $0x8;
	v58 =	vshll.u32 v38, $0x8  }
0x2a6: {  	v19 =	vmul.f32 v28, v63;
	v25 =	vadd.f32 v36, v54;
	v54 =	vadd.s32 $0x1, v32  }
0x2a7: {  	v59 =	vld [tilespmem:s31+$0x70];
	v32 =	vcvt.s32.f32 v32;
	v42 =	vtrunc.f32 v27;
	v21 =	vadd.f32 v37, v56  }
0x2a8: {  	v45 =	vtrunc.f32 v24;
	v18 =	vadd.f32 v17, v20;
	vm6 =	vlt.s32 v54, $0xFF  }
0x2a9: {  	v55 =	vadd.s32 $0x1, v34;
	v62 =	vadd.s32 v34, v60;
	v44 =	vcvt.f32.s32 v42  }
0x2aa: {  	v17 =	vadd.f32 v19, v22;
	v20 =	vcvt.f32.s32 v45;
	v19 =	vsub.f32 v40, v39  }
0x2ab: {  	v37 =	vnsel vm6, $0xFF, v54;
	vm7 =	vlt.s32 v55, $0xFF;
	v42 =	vcvt.f32.s32 v61  }
0x2ac: {  	v54 =	vadd.s32 $0x1, v38;
	v40 =	vmul.f32 $2.550000000e+02, v59;
	v57 =	vnsel vm7, $0xFF, v55  }
0x2ad: {  	v37 =	vshll.u32 v37, $0x8;
	vm8 =	vlt.s32 v54, $0xFF;
	v46 =	vadd.s32 $0x1, v44  }
0x2ae: {  	v56 =	vld [tilespmem:s1+$0x70];
	v47 =	vadd.s32 $0x1, v20;
	v23 =	vshll.u32 v44, $0x8;
	v41 =	vadd.s32 v60, v57  }
0x2af: {  	v63 =	vadd.s32 v34, v37;
	v55 =	vadd.s32 $0x1, v42;
	v45 =	vnsel vm8, $0xFF, v54  }
0x2b0: {  	v49 =	vadd.s32 v42, v58;
	vm4 =	vlt.s32 v46, $0xFF;
	vm5 =	vlt.s32 v47, $0xFF  }
0x2b1: {  	v52 =	vadd.s32 v20, v23;
	vm9 =	vlt.s32 v55, $0xFF;
	v45 =	vshll.u32 v45, $0x8  }
0x2b2: {  	v22 =	vnsel vm4, $0xFF, v46;
	v28 =	vnsel vm5, $0xFF, v47;
	v43 =	vld.idx.msk [tilespmem:v62+s3+$0x0], $0xffff;
	v50 =	vadd.s32 v42, v45  }
0x2b3: {  	v39 =	vmul.f32 $2.550000000e+02, v56;
	v56 =	vnsel vm9, $0xFF, v55;
	v23 =	vadd.s32 v23, v28;
	v41 =	vld.idx.msk [tilespmem:v41+s3+$0x0], $0xffff  }
0x2b4: {  	v31 =	vcvt.s32.f32 v44;
	v22 =	vshll.u32 v22, $0x8;
	v47 =	vadd.s32 v58, v56;
	v44 =	vld.idx.msk [tilespmem:v63+s3+$0x0], $0xffff  }
0x2b5: {  	v21 =	vsub.f32 v21, v25;
	v48 =	vtrunc.f32 v40;
	v53 =	vadd.s32 v20, v22;
	v49 =	vld.idx.msk [tilespmem:v49+s3+$0x0], $0xffff  }
0x2b6: {  	v22 =	vadd.s32 v28, v22;
	v28 =	vadd.s32 v57, v37;
	v57 =	vtrunc.f32 v39;
	v35 =	vld.idx.msk [tilespmem:v52+s3+$0x0], $0xffff  }
0x2b7: {  	v48 =	vcvt.f32.s32 v48;
	v46 =	vcvt.f32.s32 v57;
	v63 =	vld.idx.msk [tilespmem:v50+s3+$0x0], $0xffff  }
0x2b8: {  	v26 =	vsub.f32 v26, v32;
	v19 =	vmul.f32 v21, v19;
	v37 =	vadd.s32 v56, v45;
	v23 =	vld.idx.msk [tilespmem:v23+s3+$0x0], $0xffff  }
0x2b9: {  	v59 =	vadd.s32 $0x1, v48;
	v51 =	vadd.s32 $0x1, v46;
	v52 =	vshll.u32 v46, $0x8;
	v47 =	vld.idx.msk [tilespmem:v47+s3+$0x0], $0xffff  }
0x2ba: {  	vm11 =	vlt.s32 v59, $0xFF;
	vm10 =	vlt.s32 v51, $0xFF;
	v61 =	vadd.s32 v48, v52;
	v36 =	vld.idx.msk [tilespmem:v53+s3+$0x0], $0xffff  }
0x2bb: {  	v27 =	vsub.f32 v27, v31;
	v60 =	vnsel vm11, $0xFF, v59;
	v22 =	vld.idx.msk [tilespmem:v22+s3+$0x0], $0xffff;
	v51 =	vnsel vm10, $0xFF, v51  }
0x2bc: {  	v59 =	vcvt.s32.f32 v38;
	v52 =	vadd.s32 v52, v60;
	v28 =	vld.idx.msk [tilespmem:v28+s3+$0x0], $0xffff;
	v51 =	vshll.u32 v51, $0x8  }
0x2bd: {  	v19 =	vadd.f32 v19, v25;
	v53 =	vadd.s32 v48, v51;
	v31 =	vadd.s32 v60, v51;
	v51 =	vld.idx.msk [tilespmem:v37+s3+$0x0], $0xffff  }
0x2be: {  	v20 =	vcvt.s32.f32 v20;
	v38 =	vld [tilespmem:s31+$0x100];
	v25 =	vsub.f32 v30, v59;
	v50 =	vsub.f32 v44, v43  }
0x2bf: {  	v34 =	vcvt.s32.f32 v34;
	v55 =	vld.idx.msk [tilespmem:v61+s3+$0x0], $0xffff;
	v61 =	vsub.f32 v63, v49;
	v36 =	vsub.f32 v36, v35  }
0x2c0: {  	v20 =	vsub.f32 v24, v20;
	v56 =	vmul.f32 v50, v26;
	v22 =	vsub.f32 v22, v23  }
0x2c1: {  	v57 =	vld.idx.msk [tilespmem:v52+s3+$0x0], $0xffff;
	v54 =	vsub.f32 v28, v41;
	v30 =	vmul.f32 v61, v25;
	v62 =	vmul.f32 v36, v27  }
0x2c2: {  	v63 =	vsub.f32 v29, v34;
	v22 =	vmul.f32 v22, v27;
	v60 =	vld.idx.msk [tilespmem:v53+s3+$0x0], $0xffff;
	v32 =	vsub.f32 v51, v47  }
0x2c3: {  	v58 =	vmul.f32 v54, v26;
	v36 =	vld [tilespmem:s1+$0x100];
	v30 =	vadd.f32 v30, v49;
	v21 =	vadd.f32 v62, v35  }
0x2c4: {  	v31 =	vld.idx.msk [tilespmem:v31+s3+$0x0], $0xffff;
	v27 =	vmul.f32 $2.550000000e+02, v38;
	v22 =	vadd.f32 v22, v23;
	v23 =	vadd.f32 v56, v43  }
0x2c5: {  	v24 =	vadd.f32 v58, v41;
	v62 =	vcvt.s32.f32 v46;
	v25 =	vmul.f32 v32, v25  }
0x2c6: {  	v43 =	vcvt.s32.f32 v48;
	v34 =	vtrunc.f32 v27;
	v22 =	vsub.f32 v22, v21  }
0x2c7: {  	v24 =	vsub.f32 v24, v23;
	v37 =	vsub.f32 v39, v62;
	v39 =	vcvt.s32.f32 v42  }
0x2c8: {  	v49 =	vld [tilespmem:s31+$0x110];
	v41 =	vadd.f32 v25, v47;
	v26 =	vsub.f32 v60, v55;
	v29 =	vmul.f32 $2.550000000e+02, v36  }
0x2c9: {  	v53 =	vld [tilespmem:s1+$0x120];
	v31 =	vsub.f32 v31, v57;
	v20 =	vmul.f32 v22, v20;
	v24 =	vmul.f32 v24, v63  }
0x2ca: {  	v42 =	vsub.f32 v33, v39;
	v22 =	vsub.f32 v41, v30;
	v26 =	vmul.f32 v26, v37  }
0x2cb: {  	v45 =	vsub.f32 v40, v43;
	v47 =	vld [tilespmem:s1+$0x110];
	v31 =	vmul.f32 v31, v37;
	v46 =	vtrunc.f32 v29  }
0x2cc: {  	v25 =	vmul.f32 v22, v42;
	v48 =	vcvt.f32.s32 v46;
	v22 =	vadd.f32 v20, v21  }
0x2cd: {  	v21 =	vadd.f32 v24, v23;
	v23 =	vcvt.f32.s32 v34;
	v34 =	vmul.f32 $2.550000000e+02, v49  }
0x2ce: {  	v63 =	vld [tilespmem:s1+$0x130];
	v33 =	vadd.f32 v26, v55;
	v44 =	vadd.f32 v31, v57;
	v31 =	vmul.f32 $2.550000000e+02, v53  }
0x2cf: {  	v20 =	vadd.f32 v25, v30;
	v50 =	vadd.s32 $0x1, v48;
	v51 =	vcvt.s32.f32 v48  }
0x2d0: {  	v52 =	vadd.s32 $0x1, v23;
	v30 =	vmul.f32 $2.550000000e+02, v47;
	v32 =	vshll.u32 v48, $0x8  }
0x2d1: {  	v58 =	vtrunc.f32 v34;
	v26 =	vsub.f32 v44, v33;
	vm12 =	vlt.s32 v50, $0xFF  }
0x2d2: {  	v55 =	vld [tilespmem:s31+$0x120];
	vm13 =	vlt.s32 v52, $0xFF;
	v57 =	vadd.s32 v23, v32;
	v37 =	vcvt.f32.s32 v58  }
0x2d3: {  	v62 =	vtrunc.f32 v31;
	v41 =	vmul.f32 $2.550000000e+02, v63;
	v24 =	vnsel vm12, $0xFF, v50  }
0x2d4: {  	v29 =	vsub.f32 v29, v51;
	v54 =	vnsel vm13, $0xFF, v52;
	v56 =	vtrunc.f32 v30  }
0x2d5: {  	v28 =	vcvt.f32.s32 v62;
	v25 =	vmul.f32 v26, v45;
	v24 =	vshll.u32 v24, $0x8  }
0x2d6: {  	v35 =	vcvt.f32.s32 v56;
	v32 =	vadd.s32 v32, v54;
	v61 =	vadd.s32 $0x1, v37  }
0x2d7: {  	v59 =	vadd.s32 v23, v24;
	v24 =	vadd.s32 v54, v24;
	v40 =	vmul.f32 $2.550000000e+02, v55  }
0x2d8: {  	vm15 =	vlt.s32 v61, $0xFF;
	v56 =	vadd.s32 $0x1, v28;
	v62 =	vshll.u32 v28, $0x8  }
0x2d9: {  	v55 =	vtrunc.f32 v41;
	v23 =	vcvt.s32.f32 v23;
	v60 =	vadd.s32 $0x1, v35  }
0x2da: {  	v39 =	vnsel vm15, $0xFF, v61;
	v53 =	vshll.u32 v35, $0x8;
	vm14 =	vlt.s32 v60, $0xFF;
	v36 =	vld.idx.msk [tilespmem:v57+s3+$0x0], $0xffff  }
0x2db: {  	v52 =	vtrunc.f32 v40;
	v54 =	vadd.s32 v37, v53;
	v57 =	vld [tilespmem:s31+$0x130];
	v26 =	vnsel vm14, $0xFF, v60  }
0x2dc: {  	v43 =	vadd.s32 v53, v39;
	v42 =	vcvt.f32.s32 v52;
	v26 =	vshll.u32 v26, $0x8;
	v32 =	vld.idx.msk [tilespmem:v32+s3+$0x0], $0xffff  }
0x2dd: {  	vm4 =	vlt.s32 v56, $0xFF;
	v46 =	vcvt.f32.s32 v55;
	v38 =	vld.idx.msk [tilespmem:v59+s3+$0x0], $0xffff;
	v58 =	vadd.s32 v37, v26  }
0x2de: {  	v45 =	vnsel vm4, $0xFF, v56;
	v59 =	vadd.s32 $0x1, v42;
	v60 =	vld.idx.msk [tilespmem:v24+s3+$0x0], $0xffff;
	v26 =	vadd.s32 v39, v26  }
0x2df: {  	v45 =	vshll.u32 v45, $0x8;
	v63 =	vadd.s32 v42, v62;
	vm5 =	vlt.s32 v59, $0xFF  }
0x2e0: {  	v61 =	vnsel vm5, $0xFF, v59;
	v44 =	vld.idx.msk [tilespmem:v54+s3+$0x0], $0xffff;
	v24 =	vmul.f32 $2.550000000e+02, v57;
	v57 =	vadd.s32 v42, v45  }
0x2e1: {  	v28 =	vcvt.s32.f32 v28;
	v35 =	vcvt.s32.f32 v35;
	v43 =	vld.idx.msk [tilespmem:v43+s3+$0x0], $0xffff;
	v56 =	vadd.s32 v62, v61  }
0x2e2: {  	v23 =	vsub.f32 v27, v23;
	v59 =	vadd.s32 $0x1, v46;
	v39 =	vadd.s32 v61, v45;
	v47 =	vld.idx.msk [tilespmem:v58+s3+$0x0], $0xffff  }
0x2e3: {  	vm6 =	vlt.s32 v59, $0xFF;
	v58 =	vtrunc.f32 v24;
	v49 =	vsub.f32 v60, v32;
	v60 =	vld.idx.msk [tilespmem:v26+s3+$0x0], $0xffff  }
0x2e4: {  	v61 =	vnsel vm6, $0xFF, v59;
	v38 =	vsub.f32 v38, v36;
	v45 =	vld.idx.msk [tilespmem:v63+s3+$0x0], $0xffff;
	v26 =	vcvt.f32.s32 v58  }
0x2e5: {  	v31 =	vsub.f32 v31, v28;
	v62 =	vshll.u32 v46, $0x8;
	v48 =	vshll.u32 v61, $0x8;
	v50 =	vld.idx.msk [tilespmem:v57+s3+$0x0], $0xffff  }
0x2e6: {  	v38 =	vmul.f32 v38, v29;
	v29 =	vmul.f32 v49, v29;
	v49 =	vld.idx.msk [tilespmem:v56+s3+$0x0], $0xffff;
	v63 =	vadd.s32 v26, v62  }
0x2e7: {  	v30 =	vsub.f32 v30, v35;
	v54 =	vadd.s32 $0x1, v26;
	v55 =	vadd.s32 v26, v48;
	v57 =	vld.idx.msk [tilespmem:v39+s3+$0x0], $0xffff  }
0x2e8: {  	v36 =	vadd.f32 v38, v36;
	v29 =	vadd.f32 v29, v32;
	vm7 =	vlt.s32 v54, $0xFF  }
0x2e9: {  	v53 =	vld [tilespmem:s1+$0x140];
	v58 =	vsub.f32 v47, v44;
	v59 =	vnsel vm7, $0xFF, v54;
	v60 =	vsub.f32 v60, v43  }
0x2ea: {  	v37 =	vcvt.s32.f32 v37;
	v54 =	vld [tilespmem:s31+$0x140];
	v61 =	vadd.s32 v62, v59;
	v62 =	vsub.f32 v29, v36  }
0x2eb: {  	v35 =	vmul.f32 v58, v30;
	v30 =	vmul.f32 v60, v30;
	v52 =	vsub.f32 v50, v45;
	v51 =	vld.idx.msk [tilespmem:v63+s3+$0x0], $0xffff  }
0x2ec: {  	v63 =	vadd.s32 v59, v48;
	v38 =	vld.idx.msk [tilespmem:v55+s3+$0x0], $0xffff;
	v27 =	vmul.f32 v62, v23;
	v32 =	vsub.f32 v57, v49  }
0x2ed: {  	v23 =	vadd.f32 v25, v33;
	v57 =	vsub.f32 v34, v37;
	v59 =	vcvt.s32.f32 v46;
	v46 =	vld [tilespmem:s1+$0x150]  }
0x2ee: {  	v28 =	vadd.f32 v35, v44;
	v30 =	vadd.f32 v30, v43;
	v55 =	vmul.f32 v52, v31;
	v43 =	vld [tilespmem:s1+$0x170]  }
0x2ef: {  	v31 =	vmul.f32 v32, v31;
	v29 =	vmul.f32 $2.550000000e+02, v54;
	v25 =	vadd.f32 v27, v36;
	v54 =	vld [tilespmem:s1+$0x160]  }
0x2f0: {  	v56 =	vld.idx.msk [tilespmem:v61+s3+$0x0], $0xffff;
	v58 =	vsub.f32 v30, v28;
	v61 =	vcvt.s32.f32 v42;
	v30 =	vadd.f32 v55, v45  }
0x2f1: {  	v62 =	vadd.f32 v31, v49;
	v50 =	vtrunc.f32 v29;
	v60 =	vld.idx.msk [tilespmem:v63+s3+$0x0], $0xffff;
	v63 =	vsub.f32 v41, v59  }
0x2f2: {  	v44 =	vsub.f32 v38, v51;
	v38 =	vmul.f32 $2.550000000e+02, v53;
	v33 =	vmul.f32 v58, v57  }
0x2f3: {  	v49 =	vld [tilespmem:s31+$0x150];
	v45 =	vsub.f32 v40, v61;
	v36 =	vcvt.f32.s32 v50;
	v35 =	vmul.f32 $2.550000000e+02, v46  }
0x2f4: {  	v47 =	vsub.f32 v62, v30;
	v43 =	vmul.f32 $2.550000000e+02, v43;
	v37 =	vmul.f32 v44, v63  }
0x2f5: {  	v48 =	vtrunc.f32 v38;
	v53 =	vadd.s32 $0x1, v36;
	v55 =	vtrunc.f32 v35  }
0x2f6: {  	v41 =	vmul.f32 $2.550000000e+02, v54;
	v28 =	vadd.f32 v33, v28;
	v42 =	vcvt.f32.s32 v48  }
0x2f7: {  	v34 =	vmul.f32 v47, v45;
	vm9 =	vlt.s32 v53, $0xFF;
	v45 =	vcvt.f32.s32 v55  }
0x2f8: {  	v37 =	vadd.f32 v37, v51;
	v40 =	vmul.f32 $2.550000000e+02, v49;
	v62 =	vtrunc.f32 v41  }
0x2f9: {  	v39 =	vsub.f32 v60, v56;
	v52 =	vadd.s32 $0x1, v42;
	v57 =	vshll.u32 v42, $0x8  }
0x2fa: {  	v59 =	vadd.s32 $0x1, v45;
	v49 =	vcvt.f32.s32 v62;
	v33 =	vadd.f32 v34, v30  }
0x2fb: {  	vm8 =	vlt.s32 v52, $0xFF;
	v58 =	vtrunc.f32 v40;
	v46 =	vadd.s32 v36, v57  }
0x2fc: {  	vm10 =	vlt.s32 v59, $0xFF;
	v51 =	vmul.f32 v39, v63;
	v31 =	vnsel vm8, $0xFF, v52  }
0x2fd: {  	v39 =	vnsel vm9, $0xFF, v53;
	v47 =	vcvt.f32.s32 v58;
	v61 =	vnsel vm10, $0xFF, v59  }
0x2fe: {  	v63 =	vld [tilespmem:s31+$0x170];
	v55 =	vshll.u32 v49, $0x8;
	v31 =	vshll.u32 v31, $0x8;
	v44 =	vadd.s32 v57, v39  }
0x2ff: {  	v57 =	vshll.u32 v45, $0x8;
	v32 =	vadd.f32 v51, v56;
	v56 =	vld [tilespmem:s31+$0x160];
	v60 =	vadd.s32 $0x1, v47  }
0x300: {  	s17 =	sand.u32 $0x1000, s0;
	s18 =	sand.u32 $0x380, s30;
	v50 =	vshll.u32 v61, $0x8;
	v48 =	vadd.s32 v36, v31;
	vm11 =	vlt.s32 v60, $0xFF  }
0x301: {  	s17 =	sor.u32 s18, s17;
	v31 =	vadd.s32 v39, v31;
	v59 =	vadd.s32 v47, v57;
	v39 =	vnsel vm11, $0xFF, v60  }
0x302: {  	[tilespmem:s17+$0x1A000] =	vst v1;
	v52 =	vadd.s32 v47, v50;
	v60 =	vadd.s32 $0x1, v49;
	v1 =	vadd.s32 v57, v39  }
0x303: {  	vm12 =	vlt.s32 v60, $0xFF;
	v51 =	vmul.f32 $2.550000000e+02, v63;
	v63 =	vtrunc.f32 v43  }
0x304: {  	[tilespmem:s17+$0x1A030] =	vst v4;
	v39 =	vadd.s32 v39, v50;
	v4 =	vld.idx.msk [tilespmem:v44+s3+$0x0], $0xffff;
	v44 =	vcvt.f32.s32 v63;
	v27 =	vmul.f32 $2.550000000e+02, v56  }
0x305: {  	[tilespmem:s17+$0x1A020] =	vst v2;
	v62 =	vnsel vm12, $0xFF, v60;
	v63 =	vcvt.s32.f32 v26;
	v56 =	vtrunc.f32 v51  }
0x306: {  	[tilespmem:s17+$0x1A040] =	vst v5;
	v2 =	vld.idx.msk [tilespmem:v46+s3+$0x0], $0xffff;
	v57 =	vshll.u32 v62, $0x8;
	v50 =	vcvt.f32.s32 v56;
	v58 =	vtrunc.f32 v27  }
0x307: {  	s6 =	sand.u32 $0xFFFFF000, s0;
	[tilespmem:s17+$0x1A060] =	vst v6;
	v6 =	vld.idx.msk [tilespmem:v59+s3+$0x0], $0xffff;
	v59 =	vadd.s32 $0x1, v44;
	v62 =	vshll.u32 v44, $0x8;
	v53 =	vcvt.f32.s32 v58  }
0x308: {  	s18 =	sadd.s32 s6, s30;
	[tilespmem:s17+$0x1A050] =	vst v3;
	v5 =	vld.idx.msk [tilespmem:v48+s3+$0x0], $0xffff;
	vm14 =	vlt.s32 v59, $0xFF;
	v60 =	vadd.s32 $0x1, v50;
	v56 =	vadd.s32 v50, v62  }
0x309: {  	s6 =	sor.u32 $0x2400, s18;
	[tilespmem:s17+$0x1A070] =	vst v7;
	v3 =	vld.idx.msk [tilespmem:v31+s3+$0x0], $0xffff;
	vm15 =	vlt.s32 v60, $0xFF;
	v61 =	vadd.s32 $0x1, v53;
	v58 =	vadd.s32 v53, v55  }
0x30a: {  	[tilespmem:s6+$0x18000] =	vst v10;
	v10 =	vld.idx.msk [tilespmem:v52+s3+$0x0], $0xffff;
	v54 =	vadd.s32 v53, v57;
	v7 =	vnsel vm15, $0xFF, v60;
	vm13 =	vlt.s32 v61, $0xFF  }
0x30b: {  	[tilespmem:s17+$0x1A010] =	vst v0;
	v1 =	vld.idx.msk [tilespmem:v1+s3+$0x0], $0xffff;
	v0 =	vnsel vm13, $0xFF, v61;
	v61 =	vnsel vm14, $0xFF, v59;
	v59 =	vadd.s32 v62, v7  }
0x30c: {  	[tilespmem:s6+$0x18010] =	vst v9;
	v34 =	vcvt.s32.f32 v36;
	v9 =	vsub.f32 v24, v63;
	v48 =	vadd.s32 v55, v0;
	v55 =	vld.idx.msk [tilespmem:v39+s3+$0x0], $0xffff  }
0x30d: {  	v60 =	vsub.f32 v32, v37;
	v0 =	vadd.s32 v0, v57;
	v31 =	vshll.u32 v61, $0x8;
	v36 =	vld.idx.msk [tilespmem:v56+s3+$0x0], $0xffff  }
0x30e: {  	v57 =	vcvt.s32.f32 v42;
	v62 =	vadd.s32 v50, v31;
	v58 =	vld.idx.msk [tilespmem:v58+s3+$0x0], $0xffff  }
0x30f: {  	v9 =	vmul.f32 v60, v9;
	v7 =	vadd.s32 v7, v31;
	v63 =	vld.idx.msk [tilespmem:v54+s3+$0x0], $0xffff  }
0x310: {  	[tilespmem:s6+$0x18020] =	vst v8;
	v5 =	vsub.f32 v5, v2;
	v8 =	vsub.f32 v38, v57;
	v38 =	vld.idx.msk [tilespmem:v59+s3+$0x0], $0xffff  }
0x311: {  	[tilespmem:s6+$0x18030] =	vst v11;
	v3 =	vsub.f32 v3, v4;
	v9 =	vadd.f32 v9, v37;
	v37 =	vcvt.s32.f32 v45;
	v61 =	vld.idx.msk [tilespmem:v48+s3+$0x0], $0xffff  }
0x312: {  	[tilespmem:s6+$0x18040] =	vst v13;
	v52 =	vcvt.s32.f32 v44;
	v10 =	vsub.f32 v10, v6;
	v39 =	vsub.f32 v29, v34;
	v0 =	vld.idx.msk [tilespmem:v0+s3+$0x0], $0xffff  }
0x313: {  	[tilespmem:s6+$0x18050] =	vst v12;
	v45 =	vcvt.s32.f32 v47;
	v47 =	vsub.f32 v35, v37;
	v5 =	vmul.f32 v5, v8;
	v46 =	vld.idx.msk [tilespmem:v62+s3+$0x0], $0xffff  }
0x314: {  	[tilespmem:s6+$0x18070] =	vst v15;
	v3 =	vmul.f32 v3, v8;
	v48 =	vcvt.s32.f32 v49;
	v49 =	vsub.f32 v55, v1;
	v7 =	vld.idx.msk [tilespmem:v7+s3+$0x0], $0xffff  }
0x315: {  	[tilespmem:s6+$0x18060] =	vst v14;
	v55 =	vsub.f32 v43, v52;
	v2 =	vadd.f32 v5, v2  }
0x316: {  	[tilespmem:s17+$0x1A800] =	vst v16;
	v10 =	vmul.f32 v10, v47;
	v3 =	vadd.f32 v3, v4;
	v5 =	vsub.f32 v40, v45  }
0x317: {  	[tilespmem:s17+$0x1A810] =	vst v18;
	v8 =	vsub.f32 v41, v48;
	v54 =	vsub.f32 v63, v58  }
0x318: {  	[tilespmem:s17+$0x1A820] =	vst v17;
	v4 =	vmul.f32 v49, v47;
	v6 =	vadd.f32 v10, v6;
	v0 =	vsub.f32 v0, v61  }
0x319: {  	[tilespmem:s17+$0x1A830] =	vst v19;
	v16 =	vmul.f32 v54, v8;
	v56 =	vsub.f32 v46, v36;
	v7 =	vsub.f32 v7, v38  }
0x31a: {  	[tilespmem:s17+$0x1A840] =	vst v22;
	v3 =	vsub.f32 v3, v2;
	v1 =	vadd.f32 v4, v1;
	v0 =	vmul.f32 v0, v8  }
0x31b: {  	[tilespmem:s17+$0x1A850] =	vst v21;
	v58 =	vadd.f32 v16, v58;
	v57 =	vmul.f32 v56, v55;
	v7 =	vmul.f32 v7, v55  }
0x31c: {  	[tilespmem:s17+$0x1A860] =	vst v20;
	v59 =	vcvt.s32.f32 v53;
	v1 =	vsub.f32 v1, v6;
	v0 =	vadd.f32 v0, v61  }
0x31d: {  	s18 =	sor.u32 $0x2C00, s18;
	[tilespmem:s17+$0x1A870] =	vst v23;
	v60 =	vcvt.s32.f32 v50;
	v4 =	vadd.f32 v57, v36;
	v7 =	vadd.f32 v7, v38  }
0x31e: {  	[tilespmem:s18+$0x18000] =	vst v25;
	v10 =	vsub.f32 v27, v59;
	v3 =	vmul.f32 v3, v39;
	v0 =	vsub.f32 v0, v58  }
0x31f: {  	[tilespmem:s18+$0x18010] =	vst v28;
	v1 =	vmul.f32 v1, v5;
	v61 =	vsub.f32 v51, v60;
	v7 =	vsub.f32 v7, v4  }
0x320: {  	p0 =	sne.s32 s0, $0x1E00;
	[tilespmem:s18+$0x18020] =	vst v33;
	v2 =	vadd.f32 v3, v2;
	v0 =	vmul.f32 v0, v10  }
.Ltmp10:
0x321: {  	[tilespmem:s18+$0x18030] =	vst v9;
	v1 =	vadd.f32 v1, v6;
	v62 =	vmul.f32 v7, v61;
	(pc) =	sbr.rel @p0 .LBB2_19-.Ltmp10, $4  }
0x322: {  	[tilespmem:s18+$0x18040] =	vst v2;
	v0 =	vadd.f32 v0, v58  }
0x323: {  	[tilespmem:s18+$0x18050] =	vst v1;
	v63 =	vadd.f32 v62, v4  }
0x324: {  	s0 =	sadd.s32 $0x200, s0;
	[tilespmem:s18+$0x18060] =	vst v0  }
0x325: {  	s30 =	sadd.s32 $0x80, s30;
	s1 =	sadd.s32 $0x400, s1;
	s31 =	sadd.s32 $0x400, s31;
	[tilespmem:s18+$0x18070] =	vst v63  }
.Ltmp11:
0x326: {  	(pc) =	sbr.rel @p1 .LBB2_26-.Ltmp11, $4  }
0x327: {  	_ = 	snop  }
0x328: {  	s0 =	sadd.s32 s29, s2  }
0x329: {  	s0 =	sadd.s32 $0x400, s0  }
0x32a: {  	[hbm4b:s0+s3] =	stream.linear.scatter [tilespmem:s22], [sflag:$0x5], $0x2000, $0x38;
	[tilespmem:$0x1C000] =	vst v63  }
0x32b: {  	s0 =	sadd.s32 s28, s15  }
0x32c: {  	s1 =	sadd.s32 s11, s0  }
0x32d: {  	s1 =	sshrl.u32 s1, $0x3  }
0x32e: {  	s17 =	simm.s32 $0x10080;
	s1 =	sadd.s32 s5, s1  }
0x32f: {  	s18 =	simm.s32 $0x80;
	s28 =	simm.s32 $0x10180;
	s29 =	sadd.s32 $0x0, s1  }
.LBB2_22:
0x330: {  	[tilespmem:s17], [sflag:$0x3] =	stream.linear.gather [hbm4b:s29+s3], $0x80, $0x38;
	[tilespmem:$0x1C000] =	vst v63  }
0x331: {  	s6 =	smov.u32 s18;
	s17 =	smov.u32 s28;
	p0 =	sne.s32 s18, $0x1F80  }
.Ltmp12:
0x332: {  	s18 =	sadd.s32 $0x80, s18;
	(pc) =	sbr.rel @p0 .LBB2_22-.Ltmp12, $2  }
0x333: {  	_ =	sdelay $0x2  }
0x334: {  	s28 =	sadd.s32 $0x100, s28;
	s29 =	sadd.s32 s6, s1  }
0x335: {  	[tilespmem:s17], [sflag:$0x3] =	stream.linear.gather [hbm4b:s29+s3], $0x80, $0x38;
	[tilespmem:$0x1C000] =	vst v63  }
0x336: {  	s0 =	sadd.s32 s12, s0  }
0x337: {  	s0 =	sshrl.u32 s0, $0x3  }
0x338: {  	s1 =	simm.s32 $0x14080;
	s0 =	sadd.s32 s5, s0  }
0x339: {  	s17 =	simm.s32 $0x80;
	s18 =	simm.s32 $0x14180;
	s28 =	sadd.s32 $0x0, s0  }
.LBB2_24:
0x33a: {  	[tilespmem:s1], [sflag:$0x3] =	stream.linear.gather [hbm4b:s28+s3], $0x80, $0x38;
	[tilespmem:$0x1C000] =	vst v63  }
0x33b: {  	s6 =	smov.u32 s17;
	s1 =	smov.u32 s18;
	p0 =	sne.s32 s17, $0x1F80  }
.Ltmp13:
0x33c: {  	s17 =	sadd.s32 $0x80, s17;
	(pc) =	sbr.rel @p0 .LBB2_24-.Ltmp13, $2  }
0x33d: {  	_ =	sdelay $0x2  }
0x33e: {  	s18 =	sadd.s32 $0x100, s18;
	s28 =	sadd.s32 s6, s0  }
.Ltmp14:
0x33f: {  	(pc) =	sbr.rel .LBB2_10-.Ltmp14, $3  }
0x340: {  	_ =	sdelay $0x1  }
0x341: {  	[tilespmem:s1], [sflag:$0x3] =	stream.linear.gather [hbm4b:s28+s3], $0x80, $0x38;
	[tilespmem:$0x1C000] =	vst v63  }
0x342: {  	s26 =	sadd.s32 $0x1, s26  }
.LBB2_27:
0x343: {  	_ =	sfence.sel $0x180000  }
0x344: {  	[bflag:$0x0] =	sbarrier.arrive $0xFFFF  }
0x345: {  	_ =	strace $0x90000047  }
0x346: {  	s0 =	stileid.u32;
	[bflag:$0x2] =	sbarrier.arrive $0xFFFF  }
0x347: {  	p0 =	sne.s32 s0, $0x0;
	s0 =	rddreg [dreg:$0x2]  }
0x348: {  	s0 =	sadd.s32 @!p0 $0x100000, s0  }
0x349: {  	[sflag:s0] =	ssyncadd.tile.s32 @!p0 $0x1;
	_ =	shalt  }
.Lfunc_end2:
_tile_overlayer_lowered:
.L_overlay_start_2:
0x34a: {  	(tag) =	ssettag $0x2  }
0x34b: {  	s0 =	rddreg [dreg:$0x0];
	s2 =	stileid.u32  }
0x34c: {  	s1 =	rddreg [dreg:$0x1];
	p0 =	sne.s32 s2, $0x0  }
0x34d: {  	s3 =	rddreg [dreg:$0x2];
	[bflag:$0x3] =	sbarrier.arrive $0xFFFF;
	s2 =	simm.s32 @!p0 $0x1C06  }
0x34e: {  	[timem:s3], [sflag:s2] =	dma.local @!p0 [hbm:s0], s1  }
0x34f: {  	s0 =	simm.s32 @!p0 $0x6  }
0x350: {  	_ =	swait.ge @!p0 [sflag:s0], s1  }
0x351: {  	s1 =	ssub.s32 @!p0 $0x0, s1;
	[sflag:s0] =	ssyncset.done @!p0 $0x0  }
0x352: {  	[sflag:s0] =	ssyncadd.s32 @!p0 s1  }
0x353: {  	[bflag:$0x3] =	sbarrier.arrive $0xFFFF  }
0x354: {  	_ =	shalt  }

</sc_bundles>
